<compile_context>
chip_gen: v7x
topology: tpu7x:2x2x1
jax: 0.10.2.dev20260603
libtpu: 0.0.44.dev20260713+nightly
codegen_flags: <defaults>
</compile_context>

<pallas_src>
import functools

import jax
import jax.numpy as jnp
from jax import lax
from jax.experimental import pallas as pl
from jax.experimental.pallas import tpu as pltpu
from jax.experimental.pallas import tpu_sc as plsc

VOCAB, EMBED, NCLS, B, T = 100000, 128, 1024, 4096, 204800
NC, NS = 2, 16
NW = NC * NS
GPW = B // NW
TAIL_N = T - B
TPW = TAIL_N // NW
CHUNK = 128
NCHUNK = TPW // CHUNK
NV = EMBED // 16
TAIL_COUNT = float(T - (B - 1))


def _sc_body(text_hbm, table_hbm, gout_hbm, part_hbm, idx_v, rows_v, acc_v, sem):
    wid = lax.axis_index("s") * NC + lax.axis_index("c")

    gbase = wid * GPW
    pltpu.sync_copy(text_hbm.at[pl.ds(gbase, GPW)], idx_v)
    pltpu.async_copy(table_hbm.at[idx_v], rows_v, sem).wait()
    pltpu.sync_copy(rows_v, gout_hbm.at[pl.ds(gbase, GPW)])

    tbase = B + wid * TPW

    def chunk_body(i, accs):
        pltpu.sync_copy(text_hbm.at[pl.ds(tbase + i * CHUNK, CHUNK)], idx_v)
        pltpu.async_copy(table_hbm.at[idx_v], rows_v, sem).wait()

        def row_body(r, accs):
            return tuple(accs[j] + rows_v[r, pl.ds(16 * j, 16)]
                         for j in range(NV))

        return lax.fori_loop(0, CHUNK, row_body, accs, unroll=8)

    accs = lax.fori_loop(
        0, NCHUNK, chunk_body,
        tuple(jnp.zeros((16,), jnp.float32) for _ in range(NV)))
    for j in range(NV):
        acc_v[pl.ds(16 * j, 16)] = accs[j]
    pltpu.sync_copy(acc_v, part_hbm.at[wid])


@functools.cache
def _sc_embed():
    return pl.kernel(
        _sc_body,
        out_type=[
            jax.ShapeDtypeStruct((B, EMBED), jnp.float32),
            jax.ShapeDtypeStruct((NW, EMBED), jnp.float32),
        ],
        mesh=plsc.VectorSubcoreMesh(core_axis_name="c", subcore_axis_name="s"),
        scratch_types=[
            pltpu.VMEM((CHUNK,), jnp.int32),
            pltpu.VMEM((CHUNK, EMBED), jnp.float32),
            pltpu.VMEM((EMBED,), jnp.float32),
            pltpu.SemaphoreType.DMA,
        ],
    )


def _tc_body(g_ref, part_ref, w_ref, b_ref, o_ref):
    g = g_ref[...]
    tail = (jnp.sum(part_ref[...], axis=0) + g[B - 1]) * (1.0 / TAIL_COUNT)
    row = lax.broadcasted_iota(jnp.int32, (B, 1), 0)
    emb = jnp.where(row == B - 1, tail[None, :], g)
    o_ref[...] = lax.dot_general(
        emb, w_ref[...], (((1,), (1,)), ((), ())),
        preferred_element_type=jnp.float32) + b_ref[...]


def _tc_matmul(gout, part, fc_w, fc_b2d, block_n=256):
    return pl.pallas_call(
        _tc_body,
        grid=(NCLS // block_n,),
        in_specs=[
            pl.BlockSpec((B, EMBED), lambda j: (0, 0)),
            pl.BlockSpec((NW, EMBED), lambda j: (0, 0)),
            pl.BlockSpec((block_n, EMBED), lambda j: (j, 0)),
            pl.BlockSpec((1, block_n), lambda j: (0, j)),
        ],
        out_specs=pl.BlockSpec((B, block_n), lambda j: (0, j)),
        out_shape=jax.ShapeDtypeStruct((B, NCLS), jnp.float32),
    )(gout, part, fc_w, fc_b2d)


def kernel(text, offsets, emb_table, fc_w, fc_b):
    del offsets
    gout, part = _sc_embed()(text.astype(jnp.int32), emb_table)
    return _tc_matmul(gout, part, fc_w, fc_b.reshape(1, NCLS))

# --- scband reference (transcript-rebuilt; emitter-appended) ---
"""Pipeline reference for scband-mlp-28054726378076 (READ-ONLY COPY).

The authoritative reference and input builder live on the scoring server;
editing this copy changes nothing except your own understanding.
"""

import jax, jax.numpy as jnp
import numpy as np

VOCAB = 100000
EMBED = 128
NCLS = 1024
B = 4096
T = 204800


def setup_inputs(seed: int = 0) -> dict:
    key = jax.random.key(seed)
    k1, k2, k3, k4 = jax.random.split(key, 4)
    text = jax.random.randint(k1, (T,), 0, VOCAB)
    offsets = jnp.arange(B)
    emb_table = jax.random.normal(k2, (VOCAB, EMBED), dtype=jnp.float32)
    fc_w = jax.random.normal(k3, (NCLS, EMBED), dtype=jnp.float32) * 0.02
    fc_b = jax.random.normal(k4, (NCLS,), dtype=jnp.float32) * 0.02
    return {"text": text, "offsets": offsets, "emb_table": emb_table, "fc_w": fc_w, "fc_b": fc_b}


def reference(text, offsets, emb_table, fc_w, fc_b):
    # nn.EmbeddingBag default mode='mean': bag n spans text[offsets[n]:offsets[n+1]]
    T_ = text.shape[0]
    B_ = offsets.shape[0]
    gathered = jnp.take(emb_table, text, axis=0)  # [T, EMBED] gather
    # per-token segment id via searchsorted over sorted offsets
    seg = jnp.searchsorted(offsets, jnp.arange(T_), side='right') - 1
    sums = jax.ops.segment_sum(gathered, seg, num_segments=B_)
    counts = jax.ops.segment_sum(jnp.ones((T_,), dtype=gathered.dtype), seg, num_segments=B_)
    embedded = sums / jnp.maximum(counts, 1.0)[:, None]  # mean-pooled bags [B, EMBED]
    # nn.Linear: y = x @ W^T + b
    return embedded @ fc_w.T + fc_b

if __name__ == "__main__":
    import jax
    _d = setup_inputs()
    print(jax.jit(kernel)(*tuple(_d.values())))

</pallas_src>

<mosaic_0001>
#map = affine_map<(d0, d1) -> (0)>
#map1 = affine_map<(d0, d1) -> (0, 0)>
module attributes {stable_mosaic.version = 14 : i64} {
  func.func @_sc_body(%arg0: i32, %arg1: i32, %arg2: memref<204800xi32, #tpu.memory_space<hbm>>, %arg3: memref<100000x128xf32, #tpu.memory_space<hbm>>, %arg4: memref<4096x128xf32, #tpu.memory_space<hbm>>, %arg5: memref<32x128xf32, #tpu.memory_space<hbm>>, %arg6: memref<128xi32, #tpu.memory_space<vmem>>, %arg7: memref<128x128xf32, #tpu.memory_space<vmem>>, %arg8: memref<128xf32, #tpu.memory_space<vmem>>, %arg9: memref<!tpu.dma_semaphore, #tpu.memory_space<semaphore_mem>>) attributes {dimension_semantics = [#tpu.dimension_semantics<core_parallel>, #tpu.dimension_semantics<subcore_parallel>], iteration_bounds = array<i64: 2, 16>, scalar_prefetch = 0 : i64, scratch_operands = 4 : i64, tpu.core_type = #tpu.core_type<sc_vector_subcore>, window_params = [{transform_indices = #map}, {transform_indices = #map1}, {transform_indices = #map1}, {transform_indices = #map1}]} {
    %mul3A = arith.constant 2 : i32
    %mul3A_0 = arith.muli %arg1, %mul3A : i32
    %add3A = arith.addi %mul3A_0, %arg0 : i32
    %mul3A_1 = arith.constant 128 : i32
    %mul3A_2 = arith.muli %add3A, %mul3A_1 : i32
    "tpu.region"() ({
      %run_scoped3A = tpu.sem_alloc : memref<!tpu.dma_semaphore, #tpu.memory_space<semaphore_mem>>
      %dma_start3A_62 = tpu.memref_slice %arg2[%mul3A_2] : memref<204800xi32, #tpu.memory_space<hbm>> -> memref<128xi32, #tpu.memory_space<hbm>>
      %dma_start3A_63 = tpu.memref_slice %arg2[%mul3A_2] : memref<204800xi32, #tpu.memory_space<hbm>> -> memref<128xi32, #tpu.memory_space<hbm>>
      tpu.enqueue_dma source(%dma_start3A_63 : memref<128xi32, #tpu.memory_space<hbm>>) target(%arg6 : memref<128xi32, #tpu.memory_space<vmem>>) target_semaphore(%run_scoped3A : memref<!tpu.dma_semaphore, #tpu.memory_space<semaphore_mem>>)
      %dma_wait3A_64 = tpu.memref_slice %arg2[%mul3A_2] : memref<204800xi32, #tpu.memory_space<hbm>> -> memref<128xi32, #tpu.memory_space<hbm>>
      %dma_wait3A_65 = tpu.memref_slice %arg2[%mul3A_2] : memref<204800xi32, #tpu.memory_space<hbm>> -> memref<128xi32, #tpu.memory_space<hbm>>
      tpu.wait_dma2 semaphore(%run_scoped3A : memref<!tpu.dma_semaphore, #tpu.memory_space<semaphore_mem>>) src(%dma_wait3A_65 : memref<128xi32, #tpu.memory_space<hbm>>) dst(%arg6 : memref<128xi32, #tpu.memory_space<vmem>>)
      tpu.yield
    }) : () -> ()
    %dma_start3A = arith.constant 0 : i32
    %dma_start3A_3 = arith.constant 0 : i32
    %dma_start3A_4 = tpu.memref_slice %arg3[%dma_start3A, %dma_start3A_3] : memref<100000x128xf32, #tpu.memory_space<hbm>> -> memref<100000x128xf32, #tpu.memory_space<hbm>>
    tpu.enqueue_indirect_dma source(%dma_start3A_4 : memref<100000x128xf32, #tpu.memory_space<hbm>>) target(%arg7 : memref<128x128xf32, #tpu.memory_space<vmem>>) offsets(%arg6 : memref<128xi32, #tpu.memory_space<vmem>>) semaphore(%arg9 : memref<!tpu.dma_semaphore, #tpu.memory_space<semaphore_mem>>)
    %dma_wait3A = arith.constant 0 : i32
    %dma_wait3A_5 = arith.constant 0 : i32
    %dma_wait3A_6 = tpu.memref_slice %arg3[%dma_wait3A, %dma_wait3A_5] : memref<100000x128xf32, #tpu.memory_space<hbm>> -> memref<100000x128xf32, #tpu.memory_space<hbm>>
    tpu.wait_indirect_dma semaphore(%arg9 : memref<!tpu.dma_semaphore, #tpu.memory_space<semaphore_mem>>) src(%dma_wait3A_6 : memref<100000x128xf32, #tpu.memory_space<hbm>>) dst(%arg7 : memref<128x128xf32, #tpu.memory_space<vmem>>)
    "tpu.region"() ({
      %run_scoped3A = tpu.sem_alloc : memref<!tpu.dma_semaphore, #tpu.memory_space<semaphore_mem>>
      %dma_start3A_62 = arith.constant 0 : i32
      %dma_start3A_63 = tpu.memref_slice %arg4[%mul3A_2, %dma_start3A_62] : memref<4096x128xf32, #tpu.memory_space<hbm>> -> memref<128x128xf32, #tpu.memory_space<hbm>>
      %dma_start3A_64 = arith.constant 0 : i32
      %dma_start3A_65 = tpu.memref_slice %arg4[%mul3A_2, %dma_start3A_64] : memref<4096x128xf32, #tpu.memory_space<hbm>> -> memref<128x128xf32, #tpu.memory_space<hbm>>
      tpu.enqueue_dma source(%arg7 : memref<128x128xf32, #tpu.memory_space<vmem>>) target(%dma_start3A_65 : memref<128x128xf32, #tpu.memory_space<hbm>>) target_semaphore(%run_scoped3A : memref<!tpu.dma_semaphore, #tpu.memory_space<semaphore_mem>>)
      %dma_wait3A_66 = arith.constant 0 : i32
      %dma_wait3A_67 = tpu.memref_slice %arg4[%mul3A_2, %dma_wait3A_66] : memref<4096x128xf32, #tpu.memory_space<hbm>> -> memref<128x128xf32, #tpu.memory_space<hbm>>
      %dma_wait3A_68 = arith.constant 0 : i32
      %dma_wait3A_69 = tpu.memref_slice %arg4[%mul3A_2, %dma_wait3A_68] : memref<4096x128xf32, #tpu.memory_space<hbm>> -> memref<128x128xf32, #tpu.memory_space<hbm>>
      tpu.wait_dma2 semaphore(%run_scoped3A : memref<!tpu.dma_semaphore, #tpu.memory_space<semaphore_mem>>) src(%arg7 : memref<128x128xf32, #tpu.memory_space<vmem>>) dst(%dma_wait3A_69 : memref<128x128xf32, #tpu.memory_space<hbm>>)
      tpu.yield
    }) : () -> ()
    %mul3A_7 = arith.constant 6272 : i32
    %mul3A_8 = arith.muli %add3A, %mul3A_7 : i32
    %add3A_9 = arith.constant 4096 : i32
    %add3A_10 = arith.addi %add3A_9, %mul3A_8 : i32
    %broadcast_in_dim3A = arith.constant 0.000000e+00 : f32
    %broadcast_in_dim3A_11 = vector.broadcast %broadcast_in_dim3A : f32 to vector<16xf32>
    %broadcast_in_dim3A_12 = arith.constant 0.000000e+00 : f32
    %broadcast_in_dim3A_13 = vector.broadcast %broadcast_in_dim3A_12 : f32 to vector<16xf32>
    %broadcast_in_dim3A_14 = arith.constant 0.000000e+00 : f32
    %broadcast_in_dim3A_15 = vector.broadcast %broadcast_in_dim3A_14 : f32 to vector<16xf32>
    %broadcast_in_dim3A_16 = arith.constant 0.000000e+00 : f32
    %broadcast_in_dim3A_17 = vector.broadcast %broadcast_in_dim3A_16 : f32 to vector<16xf32>
    %broadcast_in_dim3A_18 = arith.constant 0.000000e+00 : f32
    %broadcast_in_dim3A_19 = vector.broadcast %broadcast_in_dim3A_18 : f32 to vector<16xf32>
    %broadcast_in_dim3A_20 = arith.constant 0.000000e+00 : f32
    %broadcast_in_dim3A_21 = vector.broadcast %broadcast_in_dim3A_20 : f32 to vector<16xf32>
    %broadcast_in_dim3A_22 = arith.constant 0.000000e+00 : f32
    %broadcast_in_dim3A_23 = vector.broadcast %broadcast_in_dim3A_22 : f32 to vector<16xf32>
    %broadcast_in_dim3A_24 = arith.constant 0.000000e+00 : f32
    %broadcast_in_dim3A_25 = vector.broadcast %broadcast_in_dim3A_24 : f32 to vector<16xf32>
    %scan3A = arith.constant 0 : i32
    %scan3A_26 = arith.constant 49 : i32
    %scan3A_27 = arith.addi %scan3A, %scan3A_26 : i32
    %scan3A_28 = arith.constant 1 : i32
    %scan3A_29:8 = scf.for %scan3A_62 = %scan3A to %scan3A_27 step %scan3A_28 iter_args(%scan3A_63 = %broadcast_in_dim3A_11, %scan3A_64 = %broadcast_in_dim3A_13, %scan3A_65 = %broadcast_in_dim3A_15, %scan3A_66 = %broadcast_in_dim3A_17, %scan3A_67 = %broadcast_in_dim3A_19, %scan3A_68 = %broadcast_in_dim3A_21, %scan3A_69 = %broadcast_in_dim3A_23, %scan3A_70 = %broadcast_in_dim3A_25) -> (vector<16xf32>, vector<16xf32>, vector<16xf32>, vector<16xf32>, vector<16xf32>, vector<16xf32>, vector<16xf32>, vector<16xf32>)  : i32 {
      %mul3A_71 = arith.constant 128 : i32
      %mul3A_72 = arith.muli %scan3A_62, %mul3A_71 : i32
      %add3A_73 = arith.addi %add3A_10, %mul3A_72 : i32
      "tpu.region"() ({
        %run_scoped3A = tpu.sem_alloc : memref<!tpu.dma_semaphore, #tpu.memory_space<semaphore_mem>>
        %dma_start3A_86 = tpu.memref_slice %arg2[%add3A_73] : memref<204800xi32, #tpu.memory_space<hbm>> -> memref<128xi32, #tpu.memory_space<hbm>>
        %dma_start3A_87 = tpu.memref_slice %arg2[%add3A_73] : memref<204800xi32, #tpu.memory_space<hbm>> -> memref<128xi32, #tpu.memory_space<hbm>>
        tpu.enqueue_dma source(%dma_start3A_87 : memref<128xi32, #tpu.memory_space<hbm>>) target(%arg6 : memref<128xi32, #tpu.memory_space<vmem>>) target_semaphore(%run_scoped3A : memref<!tpu.dma_semaphore, #tpu.memory_space<semaphore_mem>>)
        %dma_wait3A_88 = tpu.memref_slice %arg2[%add3A_73] : memref<204800xi32, #tpu.memory_space<hbm>> -> memref<128xi32, #tpu.memory_space<hbm>>
        %dma_wait3A_89 = tpu.memref_slice %arg2[%add3A_73] : memref<204800xi32, #tpu.memory_space<hbm>> -> memref<128xi32, #tpu.memory_space<hbm>>
        tpu.wait_dma2 semaphore(%run_scoped3A : memref<!tpu.dma_semaphore, #tpu.memory_space<semaphore_mem>>) src(%dma_wait3A_89 : memref<128xi32, #tpu.memory_space<hbm>>) dst(%arg6 : memref<128xi32, #tpu.memory_space<vmem>>)
        tpu.yield
      }) : () -> ()
      %dma_start3A_74 = arith.constant 0 : i32
      %dma_start3A_75 = arith.constant 0 : i32
      %dma_start3A_76 = tpu.memref_slice %arg3[%dma_start3A_74, %dma_start3A_75] : memref<100000x128xf32, #tpu.memory_space<hbm>> -> memref<100000x128xf32, #tpu.memory_space<hbm>>
      tpu.enqueue_indirect_dma source(%dma_start3A_76 : memref<100000x128xf32, #tpu.memory_space<hbm>>) target(%arg7 : memref<128x128xf32, #tpu.memory_space<vmem>>) offsets(%arg6 : memref<128xi32, #tpu.memory_space<vmem>>) semaphore(%arg9 : memref<!tpu.dma_semaphore, #tpu.memory_space<semaphore_mem>>)
      %dma_wait3A_77 = arith.constant 0 : i32
      %dma_wait3A_78 = arith.constant 0 : i32
      %dma_wait3A_79 = tpu.memref_slice %arg3[%dma_wait3A_77, %dma_wait3A_78] : memref<100000x128xf32, #tpu.memory_space<hbm>> -> memref<100000x128xf32, #tpu.memory_space<hbm>>
      tpu.wait_indirect_dma semaphore(%arg9 : memref<!tpu.dma_semaphore, #tpu.memory_space<semaphore_mem>>) src(%dma_wait3A_79 : memref<100000x128xf32, #tpu.memory_space<hbm>>) dst(%arg7 : memref<128x128xf32, #tpu.memory_space<vmem>>)
      %scan3A_80 = arith.constant 0 : i32
      %scan3A_81 = arith.constant 128 : i32
      %scan3A_82 = arith.addi %scan3A_80, %scan3A_81 : i32
      %scan3A_83 = arith.constant 8 : i32
      %scan3A_84:8 = scf.for %scan3A_86 = %scan3A_80 to %scan3A_82 step %scan3A_83 iter_args(%scan3A_87 = %scan3A_63, %scan3A_88 = %scan3A_64, %scan3A_89 = %scan3A_65, %scan3A_90 = %scan3A_66, %scan3A_91 = %scan3A_67, %scan3A_92 = %scan3A_68, %scan3A_93 = %scan3A_69, %scan3A_94 = %scan3A_70) -> (vector<16xf32>, vector<16xf32>, vector<16xf32>, vector<16xf32>, vector<16xf32>, vector<16xf32>, vector<16xf32>, vector<16xf32>)  : i32 {
        %get3A = arith.index_cast %scan3A_86 : i32 to index
        %get3A_95 = arith.constant 0 : index
        %get3A_96 = tpu.vector_load %arg7[%get3A, %get3A_95] {strides = array<i32>} : memref<128x128xf32, #tpu.memory_space<vmem>>, vector<1x16xf32>,
        %get3A_97 = vector.shape_cast %get3A_96 : vector<1x16xf32> to vector<16xf32>
        %add3A_98 = arith.addf %scan3A_87, %get3A_97 : vector<16xf32>
        %get3A_99 = arith.index_cast %scan3A_86 : i32 to index
        %get3A_100 = arith.constant 16 : index
        %get3A_101 = tpu.vector_load %arg7[%get3A_99, %get3A_100] {strides = array<i32>} : memref<128x128xf32, #tpu.memory_space<vmem>>, vector<1x16xf32>,
        %get3A_102 = vector.shape_cast %get3A_101 : vector<1x16xf32> to vector<16xf32>
        %add3A_103 = arith.addf %scan3A_88, %get3A_102 : vector<16xf32>
        %get3A_104 = arith.index_cast %scan3A_86 : i32 to index
        %get3A_105 = arith.constant 32 : index
        %get3A_106 = tpu.vector_load %arg7[%get3A_104, %get3A_105] {strides = array<i32>} : memref<128x128xf32, #tpu.memory_space<vmem>>, vector<1x16xf32>,
        %get3A_107 = vector.shape_cast %get3A_106 : vector<1x16xf32> to vector<16xf32>
        %add3A_108 = arith.addf %scan3A_89, %get3A_107 : vector<16xf32>
        %get3A_109 = arith.index_cast %scan3A_86 : i32 to index
        %get3A_110 = arith.constant 48 : index
        %get3A_111 = tpu.vector_load %arg7[%get3A_109, %get3A_110] {strides = array<i32>} : memref<128x128xf32, #tpu.memory_space<vmem>>, vector<1x16xf32>,
        %get3A_112 = vector.shape_cast %get3A_111 : vector<1x16xf32> to vector<16xf32>
        %add3A_113 = arith.addf %scan3A_90, %get3A_112 : vector<16xf32>
        %get3A_114 = arith.index_cast %scan3A_86 : i32 to index
        %get3A_115 = arith.constant 64 : index
        %get3A_116 = tpu.vector_load %arg7[%get3A_114, %get3A_115] {strides = array<i32>} : memref<128x128xf32, #tpu.memory_space<vmem>>, vector<1x16xf32>,
        %get3A_117 = vector.shape_cast %get3A_116 : vector<1x16xf32> to vector<16xf32>
        %add3A_118 = arith.addf %scan3A_91, %get3A_117 : vector<16xf32>
        %get3A_119 = arith.index_cast %scan3A_86 : i32 to index
        %get3A_120 = arith.constant 80 : index
        %get3A_121 = tpu.vector_load %arg7[%get3A_119, %get3A_120] {strides = array<i32>} : memref<128x128xf32, #tpu.memory_space<vmem>>, vector<1x16xf32>,
        %get3A_122 = vector.shape_cast %get3A_121 : vector<1x16xf32> to vector<16xf32>
        %add3A_123 = arith.addf %scan3A_92, %get3A_122 : vector<16xf32>
        %get3A_124 = arith.index_cast %scan3A_86 : i32 to index
        %get3A_125 = arith.constant 96 : index
        %get3A_126 = tpu.vector_load %arg7[%get3A_124, %get3A_125] {strides = array<i32>} : memref<128x128xf32, #tpu.memory_space<vmem>>, vector<1x16xf32>,
        %get3A_127 = vector.shape_cast %get3A_126 : vector<1x16xf32> to vector<16xf32>
        %add3A_128 = arith.addf %scan3A_93, %get3A_127 : vector<16xf32>
        %get3A_129 = arith.index_cast %scan3A_86 : i32 to index
        %get3A_130 = arith.constant 112 : index
        %get3A_131 = tpu.vector_load %arg7[%get3A_129, %get3A_130] {strides = array<i32>} : memref<128x128xf32, #tpu.memory_space<vmem>>, vector<1x16xf32>,
        %get3A_132 = vector.shape_cast %get3A_131 : vector<1x16xf32> to vector<16xf32>
        %add3A_133 = arith.addf %scan3A_94, %get3A_132 : vector<16xf32>
        %scan3A_134 = arith.constant 1 : i32
        %scan3A_135 = arith.addi %scan3A_86, %scan3A_134 : i32
        %get3A_136 = arith.index_cast %scan3A_135 : i32 to index
        %get3A_137 = arith.constant 0 : index
        %get3A_138 = tpu.vector_load %arg7[%get3A_136, %get3A_137] {strides = array<i32>} : memref<128x128xf32, #tpu.memory_space<vmem>>, vector<1x16xf32>,
        %get3A_139 = vector.shape_cast %get3A_138 : vector<1x16xf32> to vector<16xf32>
        %add3A_140 = arith.addf %add3A_98, %get3A_139 : vector<16xf32>
        %get3A_141 = arith.index_cast %scan3A_135 : i32 to index
        %get3A_142 = arith.constant 16 : index
        %get3A_143 = tpu.vector_load %arg7[%get3A_141, %get3A_142] {strides = array<i32>} : memref<128x128xf32, #tpu.memory_space<vmem>>, vector<1x16xf32>,
        %get3A_144 = vector.shape_cast %get3A_143 : vector<1x16xf32> to vector<16xf32>
        %add3A_145 = arith.addf %add3A_103, %get3A_144 : vector<16xf32>
        %get3A_146 = arith.index_cast %scan3A_135 : i32 to index
        %get3A_147 = arith.constant 32 : index
        %get3A_148 = tpu.vector_load %arg7[%get3A_146, %get3A_147] {strides = array<i32>} : memref<128x128xf32, #tpu.memory_space<vmem>>, vector<1x16xf32>,
        %get3A_149 = vector.shape_cast %get3A_148 : vector<1x16xf32> to vector<16xf32>
        %add3A_150 = arith.addf %add3A_108, %get3A_149 : vector<16xf32>
        %get3A_151 = arith.index_cast %scan3A_135 : i32 to index
        %get3A_152 = arith.constant 48 : index
        %get3A_153 = tpu.vector_load %arg7[%get3A_151, %get3A_152] {strides = array<i32>} : memref<128x128xf32, #tpu.memory_space<vmem>>, vector<1x16xf32>,
        %get3A_154 = vector.shape_cast %get3A_153 : vector<1x16xf32> to vector<16xf32>
        %add3A_155 = arith.addf %add3A_113, %get3A_154 : vector<16xf32>
        %get3A_156 = arith.index_cast %scan3A_135 : i32 to index
        %get3A_157 = arith.constant 64 : index
        %get3A_158 = tpu.vector_load %arg7[%get3A_156, %get3A_157] {strides = array<i32>} : memref<128x128xf32, #tpu.memory_space<vmem>>, vector<1x16xf32>,
        %get3A_159 = vector.shape_cast %get3A_158 : vector<1x16xf32> to vector<16xf32>
        %add3A_160 = arith.addf %add3A_118, %get3A_159 : vector<16xf32>
        %get3A_161 = arith.index_cast %scan3A_135 : i32 to index
        %get3A_162 = arith.constant 80 : index
        %get3A_163 = tpu.vector_load %arg7[%get3A_161, %get3A_162] {strides = array<i32>} : memref<128x128xf32, #tpu.memory_space<vmem>>, vector<1x16xf32>,
        %get3A_164 = vector.shape_cast %get3A_163 : vector<1x16xf32> to vector<16xf32>
        %add3A_165 = arith.addf %add3A_123, %get3A_164 : vector<16xf32>
        %get3A_166 = arith.index_cast %scan3A_135 : i32 to index
        %get3A_167 = arith.constant 96 : index
        %get3A_168 = tpu.vector_load %arg7[%get3A_166, %get3A_167] {strides = array<i32>} : memref<128x128xf32, #tpu.memory_space<vmem>>, vector<1x16xf32>,
        %get3A_169 = vector.shape_cast %get3A_168 : vector<1x16xf32> to vector<16xf32>
        %add3A_170 = arith.addf %add3A_128, %get3A_169 : vector<16xf32>
        %get3A_171 = arith.index_cast %scan3A_135 : i32 to index
        %get3A_172 = arith.constant 112 : index
        %get3A_173 = tpu.vector_load %arg7[%get3A_171, %get3A_172] {strides = array<i32>} : memref<128x128xf32, #tpu.memory_space<vmem>>, vector<1x16xf32>,
        %get3A_174 = vector.shape_cast %get3A_173 : vector<1x16xf32> to vector<16xf32>
        %add3A_175 = arith.addf %add3A_133, %get3A_174 : vector<16xf32>
        %scan3A_176 = arith.constant 2 : i32
        %scan3A_177 = arith.addi %scan3A_86, %scan3A_176 : i32
        %get3A_178 = arith.index_cast %scan3A_177 : i32 to index
        %get3A_179 = arith.constant 0 : index
        %get3A_180 = tpu.vector_load %arg7[%get3A_178, %get3A_179] {strides = array<i32>} : memref<128x128xf32, #tpu.memory_space<vmem>>, vector<1x16xf32>,
        %get3A_181 = vector.shape_cast %get3A_180 : vector<1x16xf32> to vector<16xf32>
        %add3A_182 = arith.addf %add3A_140, %get3A_181 : vector<16xf32>
        %get3A_183 = arith.index_cast %scan3A_177 : i32 to index
        %get3A_184 = arith.constant 16 : index
        %get3A_185 = tpu.vector_load %arg7[%get3A_183, %get3A_184] {strides = array<i32>} : memref<128x128xf32, #tpu.memory_space<vmem>>, vector<1x16xf32>,
        %get3A_186 = vector.shape_cast %get3A_185 : vector<1x16xf32> to vector<16xf32>
        %add3A_187 = arith.addf %add3A_145, %get3A_186 : vector<16xf32>
        %get3A_188 = arith.index_cast %scan3A_177 : i32 to index
        %get3A_189 = arith.constant 32 : index
        %get3A_190 = tpu.vector_load %arg7[%get3A_188, %get3A_189] {strides = array<i32>} : memref<128x128xf32, #tpu.memory_space<vmem>>, vector<1x16xf32>,
        %get3A_191 = vector.shape_cast %get3A_190 : vector<1x16xf32> to vector<16xf32>
        %add3A_192 = arith.addf %add3A_150, %get3A_191 : vector<16xf32>
        %get3A_193 = arith.index_cast %scan3A_177 : i32 to index
        %get3A_194 = arith.constant 48 : index
        %get3A_195 = tpu.vector_load %arg7[%get3A_193, %get3A_194] {strides = array<i32>} : memref<128x128xf32, #tpu.memory_space<vmem>>, vector<1x16xf32>,
        %get3A_196 = vector.shape_cast %get3A_195 : vector<1x16xf32> to vector<16xf32>
        %add3A_197 = arith.addf %add3A_155, %get3A_196 : vector<16xf32>
        %get3A_198 = arith.index_cast %scan3A_177 : i32 to index
        %get3A_199 = arith.constant 64 : index
        %get3A_200 = tpu.vector_load %arg7[%get3A_198, %get3A_199] {strides = array<i32>} : memref<128x128xf32, #tpu.memory_space<vmem>>, vector<1x16xf32>,
        %get3A_201 = vector.shape_cast %get3A_200 : vector<1x16xf32> to vector<16xf32>
        %add3A_202 = arith.addf %add3A_160, %get3A_201 : vector<16xf32>
        %get3A_203 = arith.index_cast %scan3A_177 : i32 to index
        %get3A_204 = arith.constant 80 : index
        %get3A_205 = tpu.vector_load %arg7[%get3A_203, %get3A_204] {strides = array<i32>} : memref<128x128xf32, #tpu.memory_space<vmem>>, vector<1x16xf32>,
        %get3A_206 = vector.shape_cast %get3A_205 : vector<1x16xf32> to vector<16xf32>
        %add3A_207 = arith.addf %add3A_165, %get3A_206 : vector<16xf32>
        %get3A_208 = arith.index_cast %scan3A_177 : i32 to index
        %get3A_209 = arith.constant 96 : index
        %get3A_210 = tpu.vector_load %arg7[%get3A_208, %get3A_209] {strides = array<i32>} : memref<128x128xf32, #tpu.memory_space<vmem>>, vector<1x16xf32>,
        %get3A_211 = vector.shape_cast %get3A_210 : vector<1x16xf32> to vector<16xf32>
        %add3A_212 = arith.addf %add3A_170, %get3A_211 : vector<16xf32>
        %get3A_213 = arith.index_cast %scan3A_177 : i32 to index
        %get3A_214 = arith.constant 112 : index
        %get3A_215 = tpu.vector_load %arg7[%get3A_213, %get3A_214] {strides = array<i32>} : memref<128x128xf32, #tpu.memory_space<vmem>>, vector<1x16xf32>,
        %get3A_216 = vector.shape_cast %get3A_215 : vector<1x16xf32> to vector<16xf32>
        %add3A_217 = arith.addf %add3A_175, %get3A_216 : vector<16xf32>
        %scan3A_218 = arith.constant 3 : i32
        %scan3A_219 = arith.addi %scan3A_86, %scan3A_218 : i32
        %get3A_220 = arith.index_cast %scan3A_219 : i32 to index
        %get3A_221 = arith.constant 0 : index
        %get3A_222 = tpu.vector_load %arg7[%get3A_220, %get3A_221] {strides = array<i32>} : memref<128x128xf32, #tpu.memory_space<vmem>>, vector<1x16xf32>,
        %get3A_223 = vector.shape_cast %get3A_222 : vector<1x16xf32> to vector<16xf32>
        %add3A_224 = arith.addf %add3A_182, %get3A_223 : vector<16xf32>
        %get3A_225 = arith.index_cast %scan3A_219 : i32 to index
        %get3A_226 = arith.constant 16 : index
        %get3A_227 = tpu.vector_load %arg7[%get3A_225, %get3A_226] {strides = array<i32>} : memref<128x128xf32, #tpu.memory_space<vmem>>, vector<1x16xf32>,
        %get3A_228 = vector.shape_cast %get3A_227 : vector<1x16xf32> to vector<16xf32>
        %add3A_229 = arith.addf %add3A_187, %get3A_228 : vector<16xf32>
        %get3A_230 = arith.index_cast %scan3A_219 : i32 to index
        %get3A_231 = arith.constant 32 : index
        %get3A_232 = tpu.vector_load %arg7[%get3A_230, %get3A_231] {strides = array<i32>} : memref<128x128xf32, #tpu.memory_space<vmem>>, vector<1x16xf32>,
        %get3A_233 = vector.shape_cast %get3A_232 : vector<1x16xf32> to vector<16xf32>
        %add3A_234 = arith.addf %add3A_192, %get3A_233 : vector<16xf32>
        %get3A_235 = arith.index_cast %scan3A_219 : i32 to index
        %get3A_236 = arith.constant 48 : index
        %get3A_237 = tpu.vector_load %arg7[%get3A_235, %get3A_236] {strides = array<i32>} : memref<128x128xf32, #tpu.memory_space<vmem>>, vector<1x16xf32>,
        %get3A_238 = vector.shape_cast %get3A_237 : vector<1x16xf32> to vector<16xf32>
        %add3A_239 = arith.addf %add3A_197, %get3A_238 : vector<16xf32>
        %get3A_240 = arith.index_cast %scan3A_219 : i32 to index
        %get3A_241 = arith.constant 64 : index
        %get3A_242 = tpu.vector_load %arg7[%get3A_240, %get3A_241] {strides = array<i32>} : memref<128x128xf32, #tpu.memory_space<vmem>>, vector<1x16xf32>,
        %get3A_243 = vector.shape_cast %get3A_242 : vector<1x16xf32> to vector<16xf32>
        %add3A_244 = arith.addf %add3A_202, %get3A_243 : vector<16xf32>
        %get3A_245 = arith.index_cast %scan3A_219 : i32 to index
        %get3A_246 = arith.constant 80 : index
        %get3A_247 = tpu.vector_load %arg7[%get3A_245, %get3A_246] {strides = array<i32>} : memref<128x128xf32, #tpu.memory_space<vmem>>, vector<1x16xf32>,
        %get3A_248 = vector.shape_cast %get3A_247 : vector<1x16xf32> to vector<16xf32>
        %add3A_249 = arith.addf %add3A_207, %get3A_248 : vector<16xf32>
        %get3A_250 = arith.index_cast %scan3A_219 : i32 to index
        %get3A_251 = arith.constant 96 : index
        %get3A_252 = tpu.vector_load %arg7[%get3A_250, %get3A_251] {strides = array<i32>} : memref<128x128xf32, #tpu.memory_space<vmem>>, vector<1x16xf32>,
        %get3A_253 = vector.shape_cast %get3A_252 : vector<1x16xf32> to vector<16xf32>
        %add3A_254 = arith.addf %add3A_212, %get3A_253 : vector<16xf32>
        %get3A_255 = arith.index_cast %scan3A_219 : i32 to index
        %get3A_256 = arith.constant 112 : index
        %get3A_257 = tpu.vector_load %arg7[%get3A_255, %get3A_256] {strides = array<i32>} : memref<128x128xf32, #tpu.memory_space<vmem>>, vector<1x16xf32>,
        %get3A_258 = vector.shape_cast %get3A_257 : vector<1x16xf32> to vector<16xf32>
        %add3A_259 = arith.addf %add3A_217, %get3A_258 : vector<16xf32>
        %scan3A_260 = arith.constant 4 : i32
        %scan3A_261 = arith.addi %scan3A_86, %scan3A_260 : i32
        %get3A_262 = arith.index_cast %scan3A_261 : i32 to index
        %get3A_263 = arith.constant 0 : index
        %get3A_264 = tpu.vector_load %arg7[%get3A_262, %get3A_263] {strides = array<i32>} : memref<128x128xf32, #tpu.memory_space<vmem>>, vector<1x16xf32>,
        %get3A_265 = vector.shape_cast %get3A_264 : vector<1x16xf32> to vector<16xf32>
        %add3A_266 = arith.addf %add3A_224, %get3A_265 : vector<16xf32>
        %get3A_267 = arith.index_cast %scan3A_261 : i32 to index
        %get3A_268 = arith.constant 16 : index
        %get3A_269 = tpu.vector_load %arg7[%get3A_267, %get3A_268] {strides = array<i32>} : memref<128x128xf32, #tpu.memory_space<vmem>>, vector<1x16xf32>,
        %get3A_270 = vector.shape_cast %get3A_269 : vector<1x16xf32> to vector<16xf32>
        %add3A_271 = arith.addf %add3A_229, %get3A_270 : vector<16xf32>
        %get3A_272 = arith.index_cast %scan3A_261 : i32 to index
        %get3A_273 = arith.constant 32 : index
        %get3A_274 = tpu.vector_load %arg7[%get3A_272, %get3A_273] {strides = array<i32>} : memref<128x128xf32, #tpu.memory_space<vmem>>, vector<1x16xf32>,
        %get3A_275 = vector.shape_cast %get3A_274 : vector<1x16xf32> to vector<16xf32>
        %add3A_276 = arith.addf %add3A_234, %get3A_275 : vector<16xf32>
        %get3A_277 = arith.index_cast %scan3A_261 : i32 to index
        %get3A_278 = arith.constant 48 : index
        %get3A_279 = tpu.vector_load %arg7[%get3A_277, %get3A_278] {strides = array<i32>} : memref<128x128xf32, #tpu.memory_space<vmem>>, vector<1x16xf32>,
        %get3A_280 = vector.shape_cast %get3A_279 : vector<1x16xf32> to vector<16xf32>
        %add3A_281 = arith.addf %add3A_239, %get3A_280 : vector<16xf32>
        %get3A_282 = arith.index_cast %scan3A_261 : i32 to index
        %get3A_283 = arith.constant 64 : index
        %get3A_284 = tpu.vector_load %arg7[%get3A_282, %get3A_283] {strides = array<i32>} : memref<128x128xf32, #tpu.memory_space<vmem>>, vector<1x16xf32>,
        %get3A_285 = vector.shape_cast %get3A_284 : vector<1x16xf32> to vector<16xf32>
        %add3A_286 = arith.addf %add3A_244, %get3A_285 : vector<16xf32>
        %get3A_287 = arith.index_cast %scan3A_261 : i32 to index
        %get3A_288 = arith.constant 80 : index
        %get3A_289 = tpu.vector_load %arg7[%get3A_287, %get3A_288] {strides = array<i32>} : memref<128x128xf32, #tpu.memory_space<vmem>>, vector<1x16xf32>,
        %get3A_290 = vector.shape_cast %get3A_289 : vector<1x16xf32> to vector<16xf32>
        %add3A_291 = arith.addf %add3A_249, %get3A_290 : vector<16xf32>
        %get3A_292 = arith.index_cast %scan3A_261 : i32 to index
        %get3A_293 = arith.constant 96 : index
        %get3A_294 = tpu.vector_load %arg7[%get3A_292, %get3A_293] {strides = array<i32>} : memref<128x128xf32, #tpu.memory_space<vmem>>, vector<1x16xf32>,
        %get3A_295 = vector.shape_cast %get3A_294 : vector<1x16xf32> to vector<16xf32>
        %add3A_296 = arith.addf %add3A_254, %get3A_295 : vector<16xf32>
        %get3A_297 = arith.index_cast %scan3A_261 : i32 to index
        %get3A_298 = arith.constant 112 : index
        %get3A_299 = tpu.vector_load %arg7[%get3A_297, %get3A_298] {strides = array<i32>} : memref<128x128xf32, #tpu.memory_space<vmem>>, vector<1x16xf32>,
        %get3A_300 = vector.shape_cast %get3A_299 : vector<1x16xf32> to vector<16xf32>
        %add3A_301 = arith.addf %add3A_259, %get3A_300 : vector<16xf32>
        %scan3A_302 = arith.constant 5 : i32
        %scan3A_303 = arith.addi %scan3A_86, %scan3A_302 : i32
        %get3A_304 = arith.index_cast %scan3A_303 : i32 to index
        %get3A_305 = arith.constant 0 : index
        %get3A_306 = tpu.vector_load %arg7[%get3A_304, %get3A_305] {strides = array<i32>} : memref<128x128xf32, #tpu.memory_space<vmem>>, vector<1x16xf32>,
        %get3A_307 = vector.shape_cast %get3A_306 : vector<1x16xf32> to vector<16xf32>
        %add3A_308 = arith.addf %add3A_266, %get3A_307 : vector<16xf32>
        %get3A_309 = arith.index_cast %scan3A_303 : i32 to index
        %get3A_310 = arith.constant 16 : index
        %get3A_311 = tpu.vector_load %arg7[%get3A_309, %get3A_310] {strides = array<i32>} : memref<128x128xf32, #tpu.memory_space<vmem>>, vector<1x16xf32>,
        %get3A_312 = vector.shape_cast %get3A_311 : vector<1x16xf32> to vector<16xf32>
        %add3A_313 = arith.addf %add3A_271, %get3A_312 : vector<16xf32>
        %get3A_314 = arith.index_cast %scan3A_303 : i32 to index
        %get3A_315 = arith.constant 32 : index
        %get3A_316 = tpu.vector_load %arg7[%get3A_314, %get3A_315] {strides = array<i32>} : memref<128x128xf32, #tpu.memory_space<vmem>>, vector<1x16xf32>,
        %get3A_317 = vector.shape_cast %get3A_316 : vector<1x16xf32> to vector<16xf32>
        %add3A_318 = arith.addf %add3A_276, %get3A_317 : vector<16xf32>
        %get3A_319 = arith.index_cast %scan3A_303 : i32 to index
        %get3A_320 = arith.constant 48 : index
        %get3A_321 = tpu.vector_load %arg7[%get3A_319, %get3A_320] {strides = array<i32>} : memref<128x128xf32, #tpu.memory_space<vmem>>, vector<1x16xf32>,
        %get3A_322 = vector.shape_cast %get3A_321 : vector<1x16xf32> to vector<16xf32>
        %add3A_323 = arith.addf %add3A_281, %get3A_322 : vector<16xf32>
        %get3A_324 = arith.index_cast %scan3A_303 : i32 to index
        %get3A_325 = arith.constant 64 : index
        %get3A_326 = tpu.vector_load %arg7[%get3A_324, %get3A_325] {strides = array<i32>} : memref<128x128xf32, #tpu.memory_space<vmem>>, vector<1x16xf32>,
        %get3A_327 = vector.shape_cast %get3A_326 : vector<1x16xf32> to vector<16xf32>
        %add3A_328 = arith.addf %add3A_286, %get3A_327 : vector<16xf32>
        %get3A_329 = arith.index_cast %scan3A_303 : i32 to index
        %get3A_330 = arith.constant 80 : index
        %get3A_331 = tpu.vector_load %arg7[%get3A_329, %get3A_330] {strides = array<i32>} : memref<128x128xf32, #tpu.memory_space<vmem>>, vector<1x16xf32>,
        %get3A_332 = vector.shape_cast %get3A_331 : vector<1x16xf32> to vector<16xf32>
        %add3A_333 = arith.addf %add3A_291, %get3A_332 : vector<16xf32>
        %get3A_334 = arith.index_cast %scan3A_303 : i32 to index
        %get3A_335 = arith.constant 96 : index
        %get3A_336 = tpu.vector_load %arg7[%get3A_334, %get3A_335] {strides = array<i32>} : memref<128x128xf32, #tpu.memory_space<vmem>>, vector<1x16xf32>,
        %get3A_337 = vector.shape_cast %get3A_336 : vector<1x16xf32> to vector<16xf32>
        %add3A_338 = arith.addf %add3A_296, %get3A_337 : vector<16xf32>
        %get3A_339 = arith.index_cast %scan3A_303 : i32 to index
        %get3A_340 = arith.constant 112 : index
        %get3A_341 = tpu.vector_load %arg7[%get3A_339, %get3A_340] {strides = array<i32>} : memref<128x128xf32, #tpu.memory_space<vmem>>, vector<1x16xf32>,
        %get3A_342 = vector.shape_cast %get3A_341 : vector<1x16xf32> to vector<16xf32>
        %add3A_343 = arith.addf %add3A_301, %get3A_342 : vector<16xf32>
        %scan3A_344 = arith.constant 6 : i32
        %scan3A_345 = arith.addi %scan3A_86, %scan3A_344 : i32
        %get3A_346 = arith.index_cast %scan3A_345 : i32 to index
        %get3A_347 = arith.constant 0 : index
        %get3A_348 = tpu.vector_load %arg7[%get3A_346, %get3A_347] {strides = array<i32>} : memref<128x128xf32, #tpu.memory_space<vmem>>, vector<1x16xf32>,
        %get3A_349 = vector.shape_cast %get3A_348 : vector<1x16xf32> to vector<16xf32>
        %add3A_350 = arith.addf %add3A_308, %get3A_349 : vector<16xf32>
        %get3A_351 = arith.index_cast %scan3A_345 : i32 to index
        %get3A_352 = arith.constant 16 : index
        %get3A_353 = tpu.vector_load %arg7[%get3A_351, %get3A_352] {strides = array<i32>} : memref<128x128xf32, #tpu.memory_space<vmem>>, vector<1x16xf32>,
        %get3A_354 = vector.shape_cast %get3A_353 : vector<1x16xf32> to vector<16xf32>
        %add3A_355 = arith.addf %add3A_313, %get3A_354 : vector<16xf32>
        %get3A_356 = arith.index_cast %scan3A_345 : i32 to index
        %get3A_357 = arith.constant 32 : index
        %get3A_358 = tpu.vector_load %arg7[%get3A_356, %get3A_357] {strides = array<i32>} : memref<128x128xf32, #tpu.memory_space<vmem>>, vector<1x16xf32>,
        %get3A_359 = vector.shape_cast %get3A_358 : vector<1x16xf32> to vector<16xf32>
        %add3A_360 = arith.addf %add3A_318, %get3A_359 : vector<16xf32>
        %get3A_361 = arith.index_cast %scan3A_345 : i32 to index
        %get3A_362 = arith.constant 48 : index
        %get3A_363 = tpu.vector_load %arg7[%get3A_361, %get3A_362] {strides = array<i32>} : memref<128x128xf32, #tpu.memory_space<vmem>>, vector<1x16xf32>,
        %get3A_364 = vector.shape_cast %get3A_363 : vector<1x16xf32> to vector<16xf32>
        %add3A_365 = arith.addf %add3A_323, %get3A_364 : vector<16xf32>
        %get3A_366 = arith.index_cast %scan3A_345 : i32 to index
        %get3A_367 = arith.constant 64 : index
        %get3A_368 = tpu.vector_load %arg7[%get3A_366, %get3A_367] {strides = array<i32>} : memref<128x128xf32, #tpu.memory_space<vmem>>, vector<1x16xf32>,
        %get3A_369 = vector.shape_cast %get3A_368 : vector<1x16xf32> to vector<16xf32>
        %add3A_370 = arith.addf %add3A_328, %get3A_369 : vector<16xf32>
        %get3A_371 = arith.index_cast %scan3A_345 : i32 to index
        %get3A_372 = arith.constant 80 : index
        %get3A_373 = tpu.vector_load %arg7[%get3A_371, %get3A_372] {strides = array<i32>} : memref<128x128xf32, #tpu.memory_space<vmem>>, vector<1x16xf32>,
        %get3A_374 = vector.shape_cast %get3A_373 : vector<1x16xf32> to vector<16xf32>
        %add3A_375 = arith.addf %add3A_333, %get3A_374 : vector<16xf32>
        %get3A_376 = arith.index_cast %scan3A_345 : i32 to index
        %get3A_377 = arith.constant 96 : index
        %get3A_378 = tpu.vector_load %arg7[%get3A_376, %get3A_377] {strides = array<i32>} : memref<128x128xf32, #tpu.memory_space<vmem>>, vector<1x16xf32>,
        %get3A_379 = vector.shape_cast %get3A_378 : vector<1x16xf32> to vector<16xf32>
        %add3A_380 = arith.addf %add3A_338, %get3A_379 : vector<16xf32>
        %get3A_381 = arith.index_cast %scan3A_345 : i32 to index
        %get3A_382 = arith.constant 112 : index
        %get3A_383 = tpu.vector_load %arg7[%get3A_381, %get3A_382] {strides = array<i32>} : memref<128x128xf32, #tpu.memory_space<vmem>>, vector<1x16xf32>,
        %get3A_384 = vector.shape_cast %get3A_383 : vector<1x16xf32> to vector<16xf32>
        %add3A_385 = arith.addf %add3A_343, %get3A_384 : vector<16xf32>
        %scan3A_386 = arith.constant 7 : i32
        %scan3A_387 = arith.addi %scan3A_86, %scan3A_386 : i32
        %get3A_388 = arith.index_cast %scan3A_387 : i32 to index
        %get3A_389 = arith.constant 0 : index
        %get3A_390 = tpu.vector_load %arg7[%get3A_388, %get3A_389] {strides = array<i32>} : memref<128x128xf32, #tpu.memory_space<vmem>>, vector<1x16xf32>,
        %get3A_391 = vector.shape_cast %get3A_390 : vector<1x16xf32> to vector<16xf32>
        %add3A_392 = arith.addf %add3A_350, %get3A_391 : vector<16xf32>
        %get3A_393 = arith.index_cast %scan3A_387 : i32 to index
        %get3A_394 = arith.constant 16 : index
        %get3A_395 = tpu.vector_load %arg7[%get3A_393, %get3A_394] {strides = array<i32>} : memref<128x128xf32, #tpu.memory_space<vmem>>, vector<1x16xf32>,
        %get3A_396 = vector.shape_cast %get3A_395 : vector<1x16xf32> to vector<16xf32>
        %add3A_397 = arith.addf %add3A_355, %get3A_396 : vector<16xf32>
        %get3A_398 = arith.index_cast %scan3A_387 : i32 to index
        %get3A_399 = arith.constant 32 : index
        %get3A_400 = tpu.vector_load %arg7[%get3A_398, %get3A_399] {strides = array<i32>} : memref<128x128xf32, #tpu.memory_space<vmem>>, vector<1x16xf32>,
        %get3A_401 = vector.shape_cast %get3A_400 : vector<1x16xf32> to vector<16xf32>
        %add3A_402 = arith.addf %add3A_360, %get3A_401 : vector<16xf32>
        %get3A_403 = arith.index_cast %scan3A_387 : i32 to index
        %get3A_404 = arith.constant 48 : index
        %get3A_405 = tpu.vector_load %arg7[%get3A_403, %get3A_404] {strides = array<i32>} : memref<128x128xf32, #tpu.memory_space<vmem>>, vector<1x16xf32>,
        %get3A_406 = vector.shape_cast %get3A_405 : vector<1x16xf32> to vector<16xf32>
        %add3A_407 = arith.addf %add3A_365, %get3A_406 : vector<16xf32>
        %get3A_408 = arith.index_cast %scan3A_387 : i32 to index
        %get3A_409 = arith.constant 64 : index
        %get3A_410 = tpu.vector_load %arg7[%get3A_408, %get3A_409] {strides = array<i32>} : memref<128x128xf32, #tpu.memory_space<vmem>>, vector<1x16xf32>,
        %get3A_411 = vector.shape_cast %get3A_410 : vector<1x16xf32> to vector<16xf32>
        %add3A_412 = arith.addf %add3A_370, %get3A_411 : vector<16xf32>
        %get3A_413 = arith.index_cast %scan3A_387 : i32 to index
        %get3A_414 = arith.constant 80 : index
        %get3A_415 = tpu.vector_load %arg7[%get3A_413, %get3A_414] {strides = array<i32>} : memref<128x128xf32, #tpu.memory_space<vmem>>, vector<1x16xf32>,
        %get3A_416 = vector.shape_cast %get3A_415 : vector<1x16xf32> to vector<16xf32>
        %add3A_417 = arith.addf %add3A_375, %get3A_416 : vector<16xf32>
        %get3A_418 = arith.index_cast %scan3A_387 : i32 to index
        %get3A_419 = arith.constant 96 : index
        %get3A_420 = tpu.vector_load %arg7[%get3A_418, %get3A_419] {strides = array<i32>} : memref<128x128xf32, #tpu.memory_space<vmem>>, vector<1x16xf32>,
        %get3A_421 = vector.shape_cast %get3A_420 : vector<1x16xf32> to vector<16xf32>
        %add3A_422 = arith.addf %add3A_380, %get3A_421 : vector<16xf32>
        %get3A_423 = arith.index_cast %scan3A_387 : i32 to index
        %get3A_424 = arith.constant 112 : index
        %get3A_425 = tpu.vector_load %arg7[%get3A_423, %get3A_424] {strides = array<i32>} : memref<128x128xf32, #tpu.memory_space<vmem>>, vector<1x16xf32>,
        %get3A_426 = vector.shape_cast %get3A_425 : vector<1x16xf32> to vector<16xf32>
        %add3A_427 = arith.addf %add3A_385, %get3A_426 : vector<16xf32>
        scf.yield %add3A_392, %add3A_397, %add3A_402, %add3A_407, %add3A_412, %add3A_417, %add3A_422, %add3A_427 : vector<16xf32>, vector<16xf32>, vector<16xf32>, vector<16xf32>, vector<16xf32>, vector<16xf32>, vector<16xf32>, vector<16xf32>
      }
      %scan3A_85 = arith.constant 128 : i32
      scf.yield %scan3A_84#0, %scan3A_84#1, %scan3A_84#2, %scan3A_84#3, %scan3A_84#4, %scan3A_84#5, %scan3A_84#6, %scan3A_84#7 : vector<16xf32>, vector<16xf32>, vector<16xf32>, vector<16xf32>, vector<16xf32>, vector<16xf32>, vector<16xf32>, vector<16xf32>
    }
    %scan3A_30 = arith.constant 49 : i32
    %swap3A = arith.constant 0 : index
    %swap3A_31 = tpu.vector_load %arg8[%swap3A] {strides = array<i32>} : memref<128xf32, #tpu.memory_space<vmem>>, vector<16xf32>,
    %swap3A_32 = vector.shape_cast %swap3A_31 : vector<16xf32> to vector<16xf32>
    %swap3A_33 = vector.shape_cast %scan3A_29#0 : vector<16xf32> to vector<16xf32>
    tpu.vector_store %arg8[%swap3A], %swap3A_33 {strides = array<i32>} : memref<128xf32, #tpu.memory_space<vmem>>, vector<16xf32>,
    %swap3A_34 = arith.constant 16 : index
    %swap3A_35 = tpu.vector_load %arg8[%swap3A_34] {strides = array<i32>} : memref<128xf32, #tpu.memory_space<vmem>>, vector<16xf32>,
    %swap3A_36 = vector.shape_cast %swap3A_35 : vector<16xf32> to vector<16xf32>
    %swap3A_37 = vector.shape_cast %scan3A_29#1 : vector<16xf32> to vector<16xf32>
    tpu.vector_store %arg8[%swap3A_34], %swap3A_37 {strides = array<i32>} : memref<128xf32, #tpu.memory_space<vmem>>, vector<16xf32>,
    %swap3A_38 = arith.constant 32 : index
    %swap3A_39 = tpu.vector_load %arg8[%swap3A_38] {strides = array<i32>} : memref<128xf32, #tpu.memory_space<vmem>>, vector<16xf32>,
    %swap3A_40 = vector.shape_cast %swap3A_39 : vector<16xf32> to vector<16xf32>
    %swap3A_41 = vector.shape_cast %scan3A_29#2 : vector<16xf32> to vector<16xf32>
    tpu.vector_store %arg8[%swap3A_38], %swap3A_41 {strides = array<i32>} : memref<128xf32, #tpu.memory_space<vmem>>, vector<16xf32>,
    %swap3A_42 = arith.constant 48 : index
    %swap3A_43 = tpu.vector_load %arg8[%swap3A_42] {strides = array<i32>} : memref<128xf32, #tpu.memory_space<vmem>>, vector<16xf32>,
    %swap3A_44 = vector.shape_cast %swap3A_43 : vector<16xf32> to vector<16xf32>
    %swap3A_45 = vector.shape_cast %scan3A_29#3 : vector<16xf32> to vector<16xf32>
    tpu.vector_store %arg8[%swap3A_42], %swap3A_45 {strides = array<i32>} : memref<128xf32, #tpu.memory_space<vmem>>, vector<16xf32>,
    %swap3A_46 = arith.constant 64 : index
    %swap3A_47 = tpu.vector_load %arg8[%swap3A_46] {strides = array<i32>} : memref<128xf32, #tpu.memory_space<vmem>>, vector<16xf32>,
    %swap3A_48 = vector.shape_cast %swap3A_47 : vector<16xf32> to vector<16xf32>
    %swap3A_49 = vector.shape_cast %scan3A_29#4 : vector<16xf32> to vector<16xf32>
    tpu.vector_store %arg8[%swap3A_46], %swap3A_49 {strides = array<i32>} : memref<128xf32, #tpu.memory_space<vmem>>, vector<16xf32>,
    %swap3A_50 = arith.constant 80 : index
    %swap3A_51 = tpu.vector_load %arg8[%swap3A_50] {strides = array<i32>} : memref<128xf32, #tpu.memory_space<vmem>>, vector<16xf32>,
    %swap3A_52 = vector.shape_cast %swap3A_51 : vector<16xf32> to vector<16xf32>
    %swap3A_53 = vector.shape_cast %scan3A_29#5 : vector<16xf32> to vector<16xf32>
    tpu.vector_store %arg8[%swap3A_50], %swap3A_53 {strides = array<i32>} : memref<128xf32, #tpu.memory_space<vmem>>, vector<16xf32>,
    %swap3A_54 = arith.constant 96 : index
    %swap3A_55 = tpu.vector_load %arg8[%swap3A_54] {strides = array<i32>} : memref<128xf32, #tpu.memory_space<vmem>>, vector<16xf32>,
    %swap3A_56 = vector.shape_cast %swap3A_55 : vector<16xf32> to vector<16xf32>
    %swap3A_57 = vector.shape_cast %scan3A_29#6 : vector<16xf32> to vector<16xf32>
    tpu.vector_store %arg8[%swap3A_54], %swap3A_57 {strides = array<i32>} : memref<128xf32, #tpu.memory_space<vmem>>, vector<16xf32>,
    %swap3A_58 = arith.constant 112 : index
    %swap3A_59 = tpu.vector_load %arg8[%swap3A_58] {strides = array<i32>} : memref<128xf32, #tpu.memory_space<vmem>>, vector<16xf32>,
    %swap3A_60 = vector.shape_cast %swap3A_59 : vector<16xf32> to vector<16xf32>
    %swap3A_61 = vector.shape_cast %scan3A_29#7 : vector<16xf32> to vector<16xf32>
    tpu.vector_store %arg8[%swap3A_58], %swap3A_61 {strides = array<i32>} : memref<128xf32, #tpu.memory_space<vmem>>, vector<16xf32>,
    "tpu.region"() ({
      %run_scoped3A = tpu.sem_alloc : memref<!tpu.dma_semaphore, #tpu.memory_space<semaphore_mem>>
      %dma_start3A_62 = arith.constant 0 : i32
      %dma_start3A_63 = tpu.memref_slice %arg5[%add3A, %dma_start3A_62] : memref<32x128xf32, #tpu.memory_space<hbm>> -> memref<1x128xf32, #tpu.memory_space<hbm>>
      %dma_start3A_64 = tpu.memref_squeeze %dma_start3A_63 : memref<1x128xf32, #tpu.memory_space<hbm>> -> memref<128xf32, #tpu.memory_space<hbm>>
      %dma_start3A_65 = arith.constant 0 : i32
      %dma_start3A_66 = tpu.memref_slice %arg5[%add3A, %dma_start3A_65] : memref<32x128xf32, #tpu.memory_space<hbm>> -> memref<1x128xf32, #tpu.memory_space<hbm>>
      %dma_start3A_67 = tpu.memref_squeeze %dma_start3A_66 : memref<1x128xf32, #tpu.memory_space<hbm>> -> memref<128xf32, #tpu.memory_space<hbm>>
      tpu.enqueue_dma source(%arg8 : memref<128xf32, #tpu.memory_space<vmem>>) target(%dma_start3A_67 : memref<128xf32, #tpu.memory_space<hbm>>) target_semaphore(%run_scoped3A : memref<!tpu.dma_semaphore, #tpu.memory_space<semaphore_mem>>)
      %dma_wait3A_68 = arith.constant 0 : i32
      %dma_wait3A_69 = tpu.memref_slice %arg5[%add3A, %dma_wait3A_68] : memref<32x128xf32, #tpu.memory_space<hbm>> -> memref<1x128xf32, #tpu.memory_space<hbm>>
      %dma_wait3A_70 = tpu.memref_squeeze %dma_wait3A_69 : memref<1x128xf32, #tpu.memory_space<hbm>> -> memref<128xf32, #tpu.memory_space<hbm>>
      %dma_wait3A_71 = arith.constant 0 : i32
      %dma_wait3A_72 = tpu.memref_slice %arg5[%add3A, %dma_wait3A_71] : memref<32x128xf32, #tpu.memory_space<hbm>> -> memref<1x128xf32, #tpu.memory_space<hbm>>
      %dma_wait3A_73 = tpu.memref_squeeze %dma_wait3A_72 : memref<1x128xf32, #tpu.memory_space<hbm>> -> memref<128xf32, #tpu.memory_space<hbm>>
      tpu.wait_dma2 semaphore(%run_scoped3A : memref<!tpu.dma_semaphore, #tpu.memory_space<semaphore_mem>>) src(%arg8 : memref<128xf32, #tpu.memory_space<vmem>>) dst(%dma_wait3A_73 : memref<128xf32, #tpu.memory_space<hbm>>)
      tpu.yield
    }) : () -> ()
    return
  }
}

module attributes {stable_mosaic.version = 14 : i64} {
  func.func @_tc_body(%arg0: i32, %arg1: memref<4096x128xf32, #tpu.memory_space<vmem>>, %arg2: memref<32x128xf32, #tpu.memory_space<vmem>>, %arg3: memref<256x128xf32, #tpu.memory_space<vmem>>, %arg4: memref<1x256xf32, #tpu.memory_space<vmem>>, %arg5: memref<4096x256xf32, #tpu.memory_space<vmem>>) attributes {dimension_semantics = [#tpu.dimension_semantics<arbitrary>], iteration_bounds = array<i64: 4>, scalar_prefetch = 0 : i64, scratch_operands = 0 : i64, tpu.core_type = #tpu.core_type<tc>, window_params = [{pipeline_mode = #tpu.pipeline_mode<synchronous>, transform_indices = @transform_0, window_bounds = array<i64: 4096, 128>}, {pipeline_mode = #tpu.pipeline_mode<synchronous>, transform_indices = @transform_1, window_bounds = array<i64: 32, 128>}, {transform_indices = @transform_2, window_bounds = array<i64: 256, 128>}, {transform_indices = @transform_3, window_bounds = array<i64: 1, 256>}, {transform_indices = @transform_4, window_bounds = array<i64: 4096, 256>}]} {
    %get3A = arith.constant 0 : index
    %get3A_0 = arith.constant 0 : index
    %get3A_1 = vector.load %arg1[%get3A, %get3A_0] : memref<4096x128xf32, #tpu.memory_space<vmem>>, vector<4096x128xf32>
    %get3A_2 = arith.constant 0 : index
    %get3A_3 = arith.constant 0 : index
    %get3A_4 = vector.load %arg2[%get3A_2, %get3A_3] : memref<32x128xf32, #tpu.memory_space<vmem>>, vector<32x128xf32>
    %reduce_sum3A = arith.constant dense<0.000000e+00> : vector<128xf32>
    %reduce_sum3A_5 = vector.multi_reduction <add>, %get3A_4, %reduce_sum3A [0] : vector<32x128xf32> to vector<128xf32>
    %slice3A = vector.extract_strided_slice %get3A_1 {offsets = [4095, 0], sizes = [1, 128], strides = [1, 1]} : vector<4096x128xf32> to vector<1x128xf32>
    %squeeze3A = vector.shape_cast %slice3A : vector<1x128xf32> to vector<128xf32>
    %add3A = arith.addf %reduce_sum3A_5, %squeeze3A : vector<128xf32>
    %mul3A = arith.constant 4.98243708E-6 : f32
    %mul3A_6 = vector.broadcast %mul3A : f32 to vector<128xf32>
    %mul3A_7 = arith.mulf %add3A, %mul3A_6 : vector<128xf32>
    %iota3A = tpu.iota {dimensions = array<i32: 0>} : vector<4096x1xi32>
    %eq3A = arith.constant 4095 : i32
    %eq3A_8 = vector.broadcast %eq3A : i32 to vector<4096x1xi32>
    %eq3A_9 = arith.cmpi eq, %iota3A, %eq3A_8 : vector<4096x1xi32>
    %broadcast_in_dim3A = vector.shape_cast %mul3A_7 : vector<128xf32> to vector<1x128xf32>
    %broadcast_in_dim3A_10 = vector.shape_cast %eq3A_9 : vector<4096x1xi1> to vector<4096x1xi1>
    %broadcast_in_dim3A_11 = vector.broadcast %broadcast_in_dim3A_10 : vector<4096x1xi1> to vector<4096x128xi1>
    %broadcast_in_dim3A_12 = vector.shape_cast %broadcast_in_dim3A : vector<1x128xf32> to vector<1x128xf32>
    %broadcast_in_dim3A_13 = vector.broadcast %broadcast_in_dim3A_12 : vector<1x128xf32> to vector<4096x128xf32>
    %select_n3A = arith.select %broadcast_in_dim3A_11, %broadcast_in_dim3A_13, %get3A_1 : vector<4096x128xi1>, vector<4096x128xf32>
    %get3A_14 = arith.constant 0 : index
    %get3A_15 = arith.constant 0 : index
    %get3A_16 = vector.load %arg3[%get3A_14, %get3A_15] : memref<256x128xf32, #tpu.memory_space<vmem>>, vector<256x128xf32>
    %dot_general3A = arith.constant dense<0.000000e+00> : vector<4096x256xf32>
    %dot_general3A_17 = tpu.matmul %select_n3A, %get3A_16, %dot_general3A {dimension_numbers = #tpu.dot_dimension_numbers<[1], [1], [0], [0], [0, 0, 1, 0], [], []>, transpose_lhs_hint = false} : vector<4096x128xf32>, vector<256x128xf32>, vector<4096x256xf32> -> vector<4096x256xf32>
    %get3A_18 = arith.constant 0 : index
    %get3A_19 = arith.constant 0 : index
    %get3A_20 = vector.load %arg4[%get3A_18, %get3A_19] : memref<1x256xf32, #tpu.memory_space<vmem>>, vector<1x256xf32>
    %add3A_21 = vector.broadcast %get3A_20 : vector<1x256xf32> to vector<4096x256xf32>
    %add3A_22 = arith.addf %dot_general3A_17, %add3A_21 : vector<4096x256xf32>
    %swap3A = arith.constant 0 : index
    %swap3A_23 = arith.constant 0 : index
    %swap3A_24 = vector.load %arg5[%swap3A, %swap3A_23] : memref<4096x256xf32, #tpu.memory_space<vmem>>, vector<4096x256xf32>
    tpu.vector_store %arg5[%swap3A, %swap3A_23], %add3A_22 {strides = array<i32>} : memref<4096x256xf32, #tpu.memory_space<vmem>>, vector<4096x256xf32>,
    return
  }
  func.func @transform_0(%arg0: i32) -> (i32, i32) {
    %c0_i32 = arith.constant 0 : i32
    %c0_i32_0 = arith.constant 0 : i32
    %c0_i32_1 = arith.constant 0 : i32
    return %c0_i32, %c0_i32_0 : i32, i32
  }
  func.func @transform_1(%arg0: i32) -> (i32, i32) {
    %c0_i32 = arith.constant 0 : i32
    %c0_i32_0 = arith.constant 0 : i32
    %c0_i32_1 = arith.constant 0 : i32
    return %c0_i32, %c0_i32_0 : i32, i32
  }
  func.func @transform_2(%arg0: i32) -> (i32, i32) {
    %c0_i32 = arith.constant 0 : i32
    %c0_i32_0 = arith.constant 0 : i32
    return %arg0, %c0_i32 : i32, i32
  }
  func.func @transform_3(%arg0: i32) -> (i32, i32) {
    %c0_i32 = arith.constant 0 : i32
    %c0_i32_0 = arith.constant 0 : i32
    return %c0_i32, %arg0 : i32, i32
  }
  func.func @transform_4(%arg0: i32) -> (i32, i32) {
    %c0_i32 = arith.constant 0 : i32
    %c0_i32_0 = arith.constant 0 : i32
    return %c0_i32, %arg0 : i32, i32
  }
}

</mosaic_0001>

<sc_bundles>
// kernel: kernel.4.cloned.1.call-start
scs
__scs_entry_jumppad:
0x0: {  	(pc) =	sbr.rel $0x88, $3  }
0x1: {  	(tag) =	ssettag $0x0;
	lr =	simm.s32 $0x1  }
0x2: {  	[smem:$0x3F9D] =	sst lr;
	_ =	strace $0xD0000000  }
0x3: {  	_ = 	snop  }
0x4: {  	_ = 	snop  }
0x5: {  	_ = 	snop  }
0x6: {  	_ = 	snop  }
0x7: {  	_ = 	snop  }
__scs_overlays_trampoline_lowered:
0x8: {  	[smem:$0x3FAC] =	sst s0  }
0x9: {  	[smem:$0x3FAD] =	sst s1  }
0xa: {  	[smem:$0x3FAE] =	sst s2  }
0xb: {  	[smem:$0x3FAF] =	sst s3  }
0xc: {  	[smem:$0x3FB0] =	sst s4  }
0xd: {  	[smem:$0x3FB1] =	sst s5  }
0xe: {  	[smem:$0x3FB2] =	sst s6  }
0xf: {  	[smem:$0x3FB3] =	sst s7  }
0x10: {  	[smem:$0x3FB4] =	sst s8  }
0x11: {  	[smem:$0x3FB5] =	sst s9;
	s0 =	simm.s32 @!p0 $0x0  }
0x12: {  	s1 =	sld [smem:$0x3F9B];
	s0 =	simm.s32 @p0 $0x1  }
0x13: {  	[smem:$0x3FB6] =	sst s0;
	s0 =	simm.s32 @!p1 $0x0  }
0x14: {  	s2 =	sld [smem:$0x3F9A];
	s0 =	simm.s32 @p1 $0x1  }
0x15: {  	[smem:$0x3FB7] =	sst s0;
	s0 =	simm.s32 @!p2 $0x0  }
0x16: {  	s3 =	sld [smem:$0x3FDB];
	s0 =	simm.s32 @p2 $0x1  }
0x17: {  	s4 =	simm.s32 $0x1BF5;
	[smem:$0x3FB9] =	sst s0  }
0x18: {  	s0 =	sld [smem:$0x3F9C];
	_ =	swait.ge [sflag:s4], $0x0  }
0x19: {  	s7 =	sld [smem:$0x3F9D]  }
0x1a: {  	s8 =	sadd.s32 $0xFFFFE003, lr  }
0x1b: {  	s9 =	sadd.s32 $0xFFFFFEF7, lr;
	s5 =	simm.s32 $0xFFFFFFFF;
	p2 =	slt.u32 s8, $0xFFFFF086  }
0x1c: {  	p1 =	slt.u32 s9, $0xF7A;
	s5 =	simm.s32 @!p2 $0x0  }
0x1d: {  	s5 =	simm.s32 @p1 $0x1;
	p0 =	seq.s32 s7, s2  }
0x1e: {  	s7 =	smul.u32 @!p0 $0xF7A, s2;
	p2 =	seq.s32 @!p0 s5, $0x0  }
0x1f: {  	s9 =	smul.u32 $0xF7A, s1;
	s8 =	simm.s32 @!p0 $0x1BF5;
	p2 =	por !p2, p0  }
0x20: {  	[sflag:s8] =	ssyncset.s32 @!p0 $0xFFFFF086;
	s6 =	sadd.s32 @!p0 s3, s7;
	s7 =	simm.s32 @!p0 $0x108  }
0x21: {  	s3 =	sadd.s32 s3, s9;
	s6 =	sadd.s32 @!p0 $0x88, s6;
	s7 =	simm.s32 @p2 $0x1082  }
0x22: {  	[simem:s7], [sflag:s8] =	dma.local @!p0 [hbm:s6], $0xF7A  }
0x23: {  	s9 =	sor.u32 $0xD0000000, s2;
	s6 =	simm.s32 $0x108;
	_ =	swait.ge @!p0 [sflag:s8], $0x0  }
0x24: {  	s3 =	sadd.s32 $0x88, s3;
	s6 =	simm.s32 @!p1 $0x1082;
	[sflag:s4] =	ssyncset.s32 $0xFFFFF086  }
0x25: {  	[simem:s6], [sflag:s4] =	dma.local [hbm:s3], $0xF7A  }
0x26: {  	[smem:$0x3F9D] =	sst s1;
	(tag) =	ssettag s2;
	_ =	strace s9  }
0x27: {  	s1 =	sld [smem:$0x3FAD]  }
0x28: {  	s2 =	sld [smem:$0x3FAE]  }
0x29: {  	s4 =	sld [smem:$0x3FB0]  }
0x2a: {  	p0 =	seq.s32 s5, $0x0;
	s5 =	sld [smem:$0x3FB1]  }
0x2b: {  	s6 =	sld [smem:$0x3FB2]  }
0x2c: {  	s7 =	sld [smem:$0x3FB3]  }
0x2d: {  	s3 =	simm.s32 $0x108;
	s8 =	sld [smem:$0x3FB4]  }
0x2e: {  	s3 =	simm.s32 @!p0 $0x1082;
	s9 =	sld [smem:$0x3FB5]  }
0x2f: {  	lr =	sadd.s32 s0, s3;
	s0 =	sld [smem:$0x3FAC]  }
0x30: {  	s3 =	sld [smem:$0x3FAF]  }
0x31: {  	[smem:$0x3FB8] =	sst s10  }
0x32: {  	s10 =	sld [smem:$0x3FB6];
	_ =	sdelay $0x3  }
0x33: {  	p0 =	seq.s32 s10, $0x1;
	s10 =	sld [smem:$0x3FB8];
	_ =	sdelay $0x3  }
0x34: {  	[smem:$0x3FB8] =	sst s10  }
0x35: {  	s10 =	sld [smem:$0x3FB7];
	_ =	sdelay $0x3  }
0x36: {  	p1 =	seq.s32 s10, $0x1;
	s10 =	sld [smem:$0x3FB8];
	_ =	sdelay $0x3  }
0x37: {  	[smem:$0x3FB8] =	sst s10  }
0x38: {  	s10 =	sld [smem:$0x3FB9]  }
0x39: {  	_ = 	snop;
	(pc) =	sbr.ind lr, $3  }
0x3a: {  	_ = 	snop  }
0x3b: {  	_ = 	snop  }
0x3c: {  	p2 =	seq.s32 s10, $0x1;
	s10 =	sld [smem:$0x3FB8]  }
0x3d: {  	_ =	shalt  }
0x3e: {  	_ =	shalt  }
0x3f: {  	_ =	shalt  }
0x40: {  	_ =	shalt  }
0x41: {  	_ =	shalt  }
0x42: {  	_ =	shalt  }
0x43: {  	_ =	shalt  }
0x44: {  	_ =	shalt  }
0x45: {  	_ =	shalt  }
0x46: {  	_ =	shalt  }
0x47: {  	_ =	shalt  }
0x48: {  	_ =	shalt  }
0x49: {  	_ =	shalt  }
0x4a: {  	_ =	shalt  }
0x4b: {  	_ =	shalt  }
0x4c: {  	_ =	shalt  }
0x4d: {  	_ =	shalt  }
0x4e: {  	_ =	shalt  }
0x4f: {  	_ =	shalt  }
0x50: {  	_ =	shalt  }
0x51: {  	_ =	shalt  }
0x52: {  	_ =	shalt  }
0x53: {  	_ =	shalt  }
0x54: {  	_ =	shalt  }
0x55: {  	_ =	shalt  }
0x56: {  	_ =	shalt  }
0x57: {  	_ =	shalt  }
0x58: {  	_ =	shalt  }
0x59: {  	_ =	shalt  }
0x5a: {  	_ =	shalt  }
0x5b: {  	_ =	shalt  }
0x5c: {  	_ =	shalt  }
0x5d: {  	_ =	shalt  }
0x5e: {  	_ =	shalt  }
0x5f: {  	_ =	shalt  }
0x60: {  	_ =	shalt  }
0x61: {  	_ =	shalt  }
0x62: {  	_ =	shalt  }
0x63: {  	_ =	shalt  }
0x64: {  	_ =	shalt  }
0x65: {  	_ =	shalt  }
0x66: {  	_ =	shalt  }
0x67: {  	_ =	shalt  }
0x68: {  	_ =	shalt  }
0x69: {  	_ =	shalt  }
0x6a: {  	_ =	shalt  }
0x6b: {  	_ =	shalt  }
0x6c: {  	_ =	shalt  }
0x6d: {  	_ =	shalt  }
0x6e: {  	_ =	shalt  }
0x6f: {  	_ =	shalt  }
0x70: {  	_ =	shalt  }
0x71: {  	_ =	shalt  }
0x72: {  	_ =	shalt  }
0x73: {  	_ =	shalt  }
0x74: {  	_ =	shalt  }
0x75: {  	_ =	shalt  }
0x76: {  	_ =	shalt  }
0x77: {  	_ =	shalt  }
0x78: {  	_ =	shalt  }
0x79: {  	_ =	shalt  }
0x7a: {  	_ =	shalt  }
0x7b: {  	_ =	shalt  }
0x7c: {  	_ =	shalt  }
0x7d: {  	_ =	shalt  }
0x7e: {  	_ =	shalt  }
0x7f: {  	_ =	shalt  }
0x80: {  	_ =	shalt  }
0x81: {  	_ =	shalt  }
0x82: {  	_ =	shalt  }
0x83: {  	_ =	shalt  }
0x84: {  	_ =	shalt  }
0x85: {  	_ =	shalt  }
0x86: {  	_ =	shalt  }
0x87: {  	_ =	shalt  }
.Lfunc_end0:
.L_simem_size_0:
called_computation_lowered:
.L_overlay_start_0:
0x88: {  	s2 =	sld [smem:$0x3FD9]  }
0x89: {  	s3 =	sld [smem:$0x3FFE];
	_ =	sdelay $0x1  }
0x8a: {  	s1 =	srdreg.scid  }
0x8b: {  	s0 =	sand.u32 $0x1, s1  }
0x8c: {  	s17 =	sshll.u32 s0, $0xA;
	s2 =	sadd.s32 s3, s2  }
0x8d: {  	s2 =	sadd.s32 s2, s17  }
0x8e: {  	[smem:$0x3FC4] =	sst s2  }
0x8f: {  	_ = 	snop  }
0x90: {  	s2 =	sld [smem:$0x3FC9]  }
0x91: {  	s18 =	sld [smem:$0x3FC8]  }
0x92: {  	s4 =	sld [smem:$0x3FD0];
	(tm) =	ssettm $0x1  }
0x93: {  	s5 =	sld [smem:$0x3FFB];
	_ =	sdelay $0x3  }
0x94: {  	_ =	strace s5  }
0x95: {  	s5 =	sld [smem:$0x3FFC];
	_ =	sdelay $0x3  }
0x96: {  	_ =	strace s5  }
0x97: {  	s5 =	sld [smem:$0x3FFD];
	_ =	sdelay $0x3  }
0x98: {  	_ =	strace s5  }
0x99: {  	_ =	strace $0x8FFFFFFF  }
0x9a: {  	s19 =	sld [smem:$0x3FDB];
	_ =	sdelay $0x1  }
0x9b: {  	s6 =	simm.s32 $_scs_section_size  }
0x9c: {  	s7 =	simm.s32 $_size__tile_overlayer_lowered;
	s8 =	simm.s32 $_tile_overlayer_lowered  }
0x9d: {  	s22 =	simm.s32 $0x1BFF;
	s21 =	sshll.u32 s8, $0x1;
	s5 =	sadd.s32 s6, s19  }
0x9e: {  	s9 =	simm.s32 $0x0;
	s20 =	sshll.u32 s7, $0x1;
	s7 =	sadd.s32 s21, s5  }
0x9f: {  	[timem:s9], [sflag:s22] =	dma.local [hbm:s7], s20  }
0xa0: {  	_ =	swait.ge [sflag:s22], s20  }
0xa1: {  	s6 =	ssub.s32 $0x0, s20;
	[sflag:s22] =	ssyncset.done $0x0  }
0xa2: {  	[sflag:s22] =	ssyncadd.s32 s6;
	_ =	sdelay $0x1  }
0xa3: {  	s23 =	simm.s32 $0x1B8B  }
0xa4: {  	_ =	swait.ge [sflag:s23], $0x1  }
0xa5: {  	[sflag:s23] =	ssyncset.done $0x0  }
0xa6: {  	s25 =	simm.s32 $0x1B8E;
	s24 =	sld [smem:$0x3FFE];
	[sflag:s23] =	ssyncadd.s32 $0xFFFFFFFF  }
0xa7: {  	s26 =	simm.s32 $execute0_lowered;
	[smem:$0x3FD2] =	sst s25  }
0xa8: {  	s7 =	sshll.u32 s26, $0x1;
	_ =	strace $0x80000046;
	[dreg:$0x1] =	wrdreg $0xFFFFFFFF  }
0xa9: {  	s28 =	simm.s32 $_size_execute0_lowered;
	s5 =	sadd.s32 s5, s7;
	[dreg:$0x0] =	wrdreg $0x0  }
0xaa: {  	s7 =	sshll.u32 s28, $0x1;
	[dreg:$0x2] =	wrdreg s5  }
0xab: {  	[dreg:$0x3] =	wrdreg s7  }
0xac: {  	[dreg:$0x4] =	wrdreg $0xC0  }
0xad: {  	_ =	task [dreg:s9], $0x5FFFF  }
0xae: {  	[dreg:$0x1] =	wrdreg $0xFFFFFFFF  }
0xaf: {  	[dreg:$0x0] =	wrdreg $0x60  }
0xb0: {  	[dreg:$0x2] =	wrdreg s2  }
0xb1: {  	[dreg:$0x3] =	wrdreg s18  }
0xb2: {  	[dreg:$0x4] =	wrdreg s4  }
0xb3: {  	[dreg:$0x5] =	wrdreg s24  }
0xb4: {  	[dreg:$0x6] =	wrdreg $0x9  }
0xb5: {  	_ =	task.clear_ibuf [dreg:s9], $0x7FFFF;
	_ =	strace $0x90000046  }
0xb6: {  	s29 =	simm.s32 $0x9;
	_ =	strace $0x80000048  }
0xb7: {  	_ =	swait.ge [sflag:s29], $0x1  }
0xb8: {  	[sflag:s29] =	ssyncadd.s32 $0xFFFFFFFF  }
0xb9: {  	_ =	strace $0x90000048  }
0xba: {  	_ =	sfence  }
0xbb: {  	s30 =	sld [smem:$0x0];
	_ =	sdelay $0x2  }
0xbc: {  	s31 =	sshll.u32 s1, $0xD;
	s1 =	sshrl.u32 s1, $0x2  }
0xbd: {  	s3 =	sand.u32 $0x4000, s31;
	s1 =	sadd.s32 s1, s30  }
0xbe: {  	s0 =	sor.u32 s3, s0;
	s1 =	sshll.u32 s1, $0x11  }
0xbf: {  	s0 =	sor.u32 s1, s0  }
0xc0: {  	s0 =	sadd.s32 $0x8F2B, s0  }
0xc1: {  	[sflag:s0] =	ssyncadd.remote.s32 $0x1  }
0xc2: {  	_ =	sfence.sel $0xFFFF  }
0xc3: {  	[dreg:$0x0] =	wrdreg $0xFFFFFFFF;
	(pc) =	sbr.abs _section_cstart, $3  }
0xc4: {  	[dreg:$0x1] =	wrdreg $0xFFFFFFFF  }
0xc5: {  	_ =	task.clear_ibuf [dreg:s9], $0x2FFFF;
	_ =	strace $0x9FFFFFFF  }
0xc6: {  	(tm) =	ssettm $0x7FFFFFFF  }
0xc7: {  	_ =	shalt  }
tec
execute0_lowered:
.L_overlay_start_1:
0x0: {  	(tag) =	ssettag $0x1  }
0x1: {  	s1 =	rddreg [dreg:$0x0]  }
0x2: {  	s2 =	rddreg [dreg:$0x1]  }
0x3: {  	s6 =	rddreg [dreg:$0x2]  }
0x4: {  	s5 =	rddreg [dreg:$0x3]  }
0x5: {  	s0 =	rddreg [dreg:$0x4];
	s7 =	srdreg.scid  }
0x6: {  	s3 =	stileid.u32;
	s4 =	simm.s32 $0x0;
	s13 =	simm.s32 $0x4080  }
0x7: {  	s14 =	simm.s32 $0x0;
	s7 =	sand.u32 $0x1, s7;
	s8 =	sshll.u32 s3, $0x1  }
0x8: {  	[smem:$0x7FF] =	sst s4;
	s8 =	sor.u32 s7, s8;
	s7 =	ssub.s32 $0x2, s7  }
0x9: {  	_ =	strace $0x80000047;
	s9 =	sshll.u32 s8, $0x4;
	s30 =	sshrl.u32 s7, $0x1  }
0xa: {  	s11 =	smul.u32 $0x1880, s8;
	s31 =	sshll.u32 s8, $0xB;
	s10 =	sadd.s32 s9, s5  }
0xb: {  	s12 =	ssub.s32 s7, s30;
	s5 =	sadd.s32 s1, s9;
	s6 =	sadd.s32 s6, s31  }
0xc: {  	s7 =	sadd.s32 $0x1000, s11;
	s8 =	sadd.s32 $0x1000, s10;
	s9 =	smax.u32 s12, $0x1  }
0xd: {  	s10 =	simm.s32 $0x2;
	s11 =	simm.s32 $0x80;
	s12 =	simm.s32 $0x1  }
.LBB2_1:
0xe: {  	[tilespmem:s4], [sflag:$0x2] =	stream.linear.gather [hbm4b:s5+s4], $0x80, $0x38;
	[tilespmem:$0x4100] =	vst v63  }
0xf: {  	_ =	swait.ge [sflag:s10], $0x80  }
0x10: {  	[sflag:s10] =	ssyncset.done $0x0  }
0x11: {  	[sflag:s10] =	ssyncadd.s32 $0xFFFFFF80  }
0x12: {  	[tilespmem:s11], [sflag:$0x1] =	stream.indirect.gather [hbm4b:s2+s11], $0x80, s4, s11, $0xb8;
	[tilespmem:$0x4100] =	vst v63  }
0x13: {  	_ =	swait.ge [sflag:s12], $0x4000  }
0x14: {  	[sflag:s12] =	ssyncset.done $0x0  }
0x15: {  	[sflag:s12] =	ssyncadd.s32 $0xFFFFC000  }
0x16: {  	[hbm4b:s6+s4] =	stream.linear.scatter [tilespmem:s11], [sflag:$0x2], $0x4000, $0x38;
	[tilespmem:$0x4100] =	vst v63  }
0x17: {  	v8 =	vimm.f32 $0.0e+00;
	v9 =	vimm.f32 $0.0e+00;
	_ =	swait.ge [sflag:s10], $0x4000  }
0x18: {  	v10 =	vimm.f32 $0.0e+00;
	v11 =	vimm.f32 $0.0e+00;
	v4 =	vimm.f32 $0.0e+00;
	[sflag:s10] =	ssyncset.done $0x0  }
0x19: {  	v5 =	vimm.f32 $0.0e+00;
	v6 =	vimm.f32 $0.0e+00;
	v7 =	vimm.f32 $0.0e+00;
	s15 =	simm.s32 $0x0;
	[sflag:s10] =	ssyncadd.s32 $0xFFFFC000  }
.LBB2_2:
0x1a: {  	s16 =	sshll.u32 s15, $0x7  }
0x1b: {  	s16 =	sadd.s32 s16, s7  }
0x1c: {  	s16 =	sshrl.u32 s16, $0x3  }
0x1d: {  	s16 =	sadd.s32 s1, s16  }
0x1e: {  	[tilespmem:s4], [sflag:$0x2] =	stream.linear.gather [hbm4b:s16+s4], $0x80, $0x38;
	[tilespmem:$0x4100] =	vst v63  }
0x1f: {  	_ =	swait.ge [sflag:s10], $0x80  }
0x20: {  	[sflag:s10] =	ssyncset.done $0x0  }
0x21: {  	[sflag:s10] =	ssyncadd.s32 $0xFFFFFF80  }
0x22: {  	[tilespmem:s11], [sflag:$0x1] =	stream.indirect.gather [hbm4b:s2+s11], $0x80, s4, s11, $0xb8;
	[tilespmem:$0x4100] =	vst v63  }
0x23: {  	_ =	swait.ge [sflag:s12], $0x4000  }
0x24: {  	[sflag:s12] =	ssyncset.done $0x0  }
0x25: {  	s17 =	simm.s32 $0x280;
	[sflag:s12] =	ssyncadd.s32 $0xFFFFC000  }
0x26: {  	v12 =	vld [tilespmem:s17+$0x180]  }
0x27: {  	v13 =	vld [tilespmem:s17+$0x190]  }
0x28: {  	v14 =	vld [tilespmem:s17+$0x1A0]  }
0x29: {  	v15 =	vld [tilespmem:s17+$0x1B0]  }
0x2a: {  	v0 =	vld [tilespmem:s17+$0x1C0]  }
0x2b: {  	v1 =	vld [tilespmem:s17+$0x1D0]  }
0x2c: {  	v16 =	vld [tilespmem:s17+$0x100]  }
0x2d: {  	v17 =	vld [tilespmem:s17+$0x110]  }
0x2e: {  	v18 =	vld [tilespmem:s17+$0x120]  }
0x2f: {  	v19 =	vld [tilespmem:s17+$0x130]  }
0x30: {  	v2 =	vld [tilespmem:s17+$0x140]  }
0x31: {  	v3 =	vld [tilespmem:s17+$0x150]  }
0x32: {  	v20 =	vld [tilespmem:s17+$0x80]  }
0x33: {  	v21 =	vld [tilespmem:s17+$0x90]  }
0x34: {  	v22 =	vld [tilespmem:s17+$0xA0]  }
0x35: {  	v23 =	vld [tilespmem:s17+$0xB0]  }
0x36: {  	v24 =	vld [tilespmem:s17+$0xC0]  }
0x37: {  	v25 =	vld [tilespmem:s17+$0xD0]  }
0x38: {  	v26 =	vld [tilespmem:s17+$0x0]  }
0x39: {  	v27 =	vld [tilespmem:s17+$0x10]  }
0x3a: {  	v28 =	vld [tilespmem:s17+$0x20]  }
0x3b: {  	v29 =	vld [tilespmem:s17+$0x30]  }
0x3c: {  	v30 =	vld [tilespmem:s17+$0x40]  }
0x3d: {  	v32 =	vld [tilespmem:s17+$0xFFFFFF80]  }
0x3e: {  	v33 =	vld [tilespmem:s17+$0xFFFFFF90]  }
0x3f: {  	v34 =	vld [tilespmem:s17+$0xFFFFFF00]  }
0x40: {  	v35 =	vld [tilespmem:s17+$0xFFFFFF10]  }
0x41: {  	v36 =	vld [tilespmem:s17+$0xFFFFFE80]  }
0x42: {  	v37 =	vld [tilespmem:s17+$0xFFFFFE90]  }
0x43: {  	v38 =	vld [tilespmem:s17+$0xFFFFFE00]  }
0x44: {  	v39 =	vld [tilespmem:s17+$0xFFFFFE10]  }
0x45: {  	v40 =	vld [tilespmem:s17+$0xFFFFFE20]  }
0x46: {  	v41 =	vld [tilespmem:s17+$0xFFFFFE30]  }
0x47: {  	v61 =	vld [tilespmem:s17+$0xFFFFFE40]  }
0x48: {  	v62 =	vld [tilespmem:s17+$0xFFFFFE50]  }
0x49: {  	v63 =	vld [tilespmem:s17+$0xFFFFFE70]  }
0x4a: {  	v42 =	vld [tilespmem:s17+$0xFFFFFEA0]  }
0x4b: {  	v43 =	vld [tilespmem:s17+$0xFFFFFEB0];
	v7 =	vadd.f32 v38, v7;
	v6 =	vadd.f32 v39, v6  }
0x4c: {  	v59 =	vld [tilespmem:s17+$0xFFFFFEC0];
	v5 =	vadd.f32 v40, v5;
	v4 =	vadd.f32 v41, v4  }
0x4d: {  	v44 =	vld [tilespmem:s17+$0xFFFFFF20];
	v11 =	vadd.f32 v61, v11;
	v10 =	vadd.f32 v62, v10  }
0x4e: {  	v52 =	vld [tilespmem:s17+$0xFFFFFF30];
	v8 =	vadd.f32 v63, v8;
	v7 =	vadd.f32 v36, v7  }
0x4f: {  	v53 =	vld [tilespmem:s17+$0xFFFFFFA0];
	v6 =	vadd.f32 v37, v6;
	v5 =	vadd.f32 v42, v5  }
0x50: {  	v54 =	vld [tilespmem:s17+$0xFFFFFFB0];
	v4 =	vadd.f32 v43, v4;
	v7 =	vadd.f32 v34, v7  }
0x51: {  	v31 =	vld [tilespmem:s17+$0x50];
	v11 =	vadd.f32 v59, v11;
	v6 =	vadd.f32 v35, v6  }
0x52: {  	v55 =	vld [tilespmem:s17+$0xFFFFFFC0];
	v5 =	vadd.f32 v44, v5;
	v7 =	vadd.f32 v32, v7  }
0x53: {  	v56 =	vld [tilespmem:s17+$0xFFFFFFD0];
	v4 =	vadd.f32 v52, v4;
	v6 =	vadd.f32 v33, v6  }
0x54: {  	v57 =	vld [tilespmem:s17+$0xFFFFFF40];
	v5 =	vadd.f32 v53, v5;
	v7 =	vadd.f32 v26, v7  }
0x55: {  	v58 =	vld [tilespmem:s17+$0xFFFFFF50];
	v4 =	vadd.f32 v54, v4;
	v6 =	vadd.f32 v27, v6  }
0x56: {  	v60 =	vld [tilespmem:s17+$0xFFFFFED0];
	v5 =	vadd.f32 v28, v5;
	v7 =	vadd.f32 v20, v7  }
0x57: {  	v4 =	vadd.f32 v29, v4;
	v6 =	vadd.f32 v21, v6;
	v20 =	vld [tilespmem:s17+$0xFFFFFE60]  }
0x58: {  	v5 =	vadd.f32 v22, v5;
	v7 =	vadd.f32 v16, v7;
	v16 =	vld [tilespmem:s17+$0xFFFFFEE0]  }
0x59: {  	v4 =	vadd.f32 v23, v4;
	v6 =	vadd.f32 v17, v6;
	v17 =	vld [tilespmem:s17+$0xFFFFFEF0]  }
0x5a: {  	v5 =	vadd.f32 v18, v5;
	v7 =	vadd.f32 v12, v7;
	v12 =	vld [tilespmem:s17+$0xFFFFFF60]  }
0x5b: {  	v4 =	vadd.f32 v19, v4;
	v6 =	vadd.f32 v13, v6;
	v13 =	vld [tilespmem:s17+$0xFFFFFF70]  }
0x5c: {  	v5 =	vadd.f32 v14, v5;
	v14 =	vld [tilespmem:s17+$0xFFFFFFE0];
	v9 =	vadd.f32 v20, v9  }
0x5d: {  	v10 =	vadd.f32 v60, v10;
	v4 =	vadd.f32 v15, v4;
	v15 =	vld [tilespmem:s17+$0xFFFFFFF0]  }
0x5e: {  	v18 =	vld [tilespmem:s17+$0x70];
	v9 =	vadd.f32 v16, v9;
	v8 =	vadd.f32 v17, v8  }
0x5f: {  	v10 =	vadd.f32 v58, v10;
	v16 =	vld [tilespmem:s17+$0x60];
	v17 =	vadd.f32 v57, v11  }
0x60: {  	v11 =	vld [tilespmem:s17+$0xE0];
	v9 =	vadd.f32 v12, v9;
	v8 =	vadd.f32 v13, v8  }
0x61: {  	v10 =	vadd.f32 v56, v10;
	v17 =	vadd.f32 v55, v17;
	v12 =	vld [tilespmem:s17+$0xF0]  }
0x62: {  	v13 =	vld [tilespmem:s17+$0x160];
	v9 =	vadd.f32 v14, v9;
	v8 =	vadd.f32 v15, v8  }
0x63: {  	v10 =	vadd.f32 v31, v10;
	v19 =	vadd.f32 v30, v17;
	v14 =	vld [tilespmem:s17+$0x170]  }
0x64: {  	v15 =	vld [tilespmem:s17+$0x1E0];
	v16 =	vadd.f32 v16, v9;
	v17 =	vadd.f32 v18, v8  }
0x65: {  	s16 =	simm.s32 $0x0;
	v18 =	vadd.f32 v24, v19;
	v9 =	vadd.f32 v25, v10;
	v8 =	vld [tilespmem:s17+$0x1F0];
	s17 =	simm.s32 $0x680  }
.LBB2_3:
0x66: {  	v10 =	vld [tilespmem:s17+$0x180];
	v16 =	vadd.f32 v11, v16;
	v17 =	vadd.f32 v12, v17  }
0x67: {  	v11 =	vld [tilespmem:s17+$0x190];
	v2 =	vadd.f32 v2, v18;
	v3 =	vadd.f32 v3, v9  }
0x68: {  	v12 =	vld [tilespmem:s17+$0x1A0];
	v9 =	vadd.f32 v13, v16;
	v16 =	vadd.f32 v14, v17  }
0x69: {  	v17 =	vld [tilespmem:s17+$0x1B0];
	v13 =	vadd.f32 v0, v2;
	v14 =	vadd.f32 v1, v3  }
0x6a: {  	v0 =	vld [tilespmem:s17+$0x1C0];
	v15 =	vadd.f32 v15, v9;
	v16 =	vadd.f32 v8, v16  }
0x6b: {  	v1 =	vld [tilespmem:s17+$0x1D0]  }
0x6c: {  	v18 =	vld [tilespmem:s17+$0x100]  }
0x6d: {  	v19 =	vld [tilespmem:s17+$0x110]  }
0x6e: {  	v20 =	vld [tilespmem:s17+$0x120]  }
0x6f: {  	v21 =	vld [tilespmem:s17+$0x130]  }
0x70: {  	v2 =	vld [tilespmem:s17+$0x140]  }
0x71: {  	v3 =	vld [tilespmem:s17+$0x150]  }
0x72: {  	v22 =	vld [tilespmem:s17+$0x80]  }
0x73: {  	v23 =	vld [tilespmem:s17+$0x90]  }
0x74: {  	v24 =	vld [tilespmem:s17+$0xA0]  }
0x75: {  	v25 =	vld [tilespmem:s17+$0xB0]  }
0x76: {  	v8 =	vld [tilespmem:s17+$0xC0]  }
0x77: {  	v9 =	vld [tilespmem:s17+$0xD0]  }
0x78: {  	v26 =	vld [tilespmem:s17+$0x0]  }
0x79: {  	v27 =	vld [tilespmem:s17+$0x10]  }
0x7a: {  	v28 =	vld [tilespmem:s17+$0x20]  }
0x7b: {  	v29 =	vld [tilespmem:s17+$0x30]  }
0x7c: {  	v30 =	vld [tilespmem:s17+$0x40]  }
0x7d: {  	v31 =	vld [tilespmem:s17+$0x50]  }
0x7e: {  	v32 =	vld [tilespmem:s17+$0xFFFFFF80]  }
0x7f: {  	v33 =	vld [tilespmem:s17+$0xFFFFFF90]  }
0x80: {  	v34 =	vld [tilespmem:s17+$0xFFFFFF00]  }
0x81: {  	v35 =	vld [tilespmem:s17+$0xFFFFFF10]  }
0x82: {  	v36 =	vld [tilespmem:s17+$0xFFFFFE80]  }
0x83: {  	v37 =	vld [tilespmem:s17+$0xFFFFFE90]  }
0x84: {  	v38 =	vld [tilespmem:s17+$0xFFFFFE00]  }
0x85: {  	v39 =	vld [tilespmem:s17+$0xFFFFFE10]  }
0x86: {  	v40 =	vld [tilespmem:s17+$0xFFFFFE20]  }
0x87: {  	v41 =	vld [tilespmem:s17+$0xFFFFFE30]  }
0x88: {  	v42 =	vld [tilespmem:s17+$0xFFFFFEA0]  }
0x89: {  	v43 =	vld [tilespmem:s17+$0xFFFFFEB0]  }
0x8a: {  	v44 =	vld [tilespmem:s17+$0xFFFFFF20]  }
0x8b: {  	v7 =	vadd.f32 v38, v7;
	v6 =	vadd.f32 v39, v6;
	v38 =	vld [tilespmem:s17+$0xFFFFFF30]  }
0x8c: {  	v5 =	vadd.f32 v40, v5;
	v4 =	vadd.f32 v41, v4;
	v39 =	vld [tilespmem:s17+$0xFFFFFFA0]  }
0x8d: {  	v7 =	vadd.f32 v36, v7;
	v6 =	vadd.f32 v37, v6;
	v36 =	vld [tilespmem:s17+$0xFFFFFFB0]  }
0x8e: {  	v5 =	vadd.f32 v42, v5;
	v4 =	vadd.f32 v43, v4;
	v37 =	vld [tilespmem:s17+$0xFFFFFFC0]  }
0x8f: {  	v7 =	vadd.f32 v34, v7;
	v6 =	vadd.f32 v35, v6;
	v34 =	vld [tilespmem:s17+$0xFFFFFFD0]  }
0x90: {  	v5 =	vadd.f32 v44, v5;
	v4 =	vadd.f32 v38, v4;
	v35 =	vld [tilespmem:s17+$0xFFFFFF40]  }
0x91: {  	v7 =	vadd.f32 v32, v7;
	v6 =	vadd.f32 v33, v6;
	v38 =	vld [tilespmem:s17+$0xFFFFFF50]  }
0x92: {  	v5 =	vadd.f32 v39, v5;
	v32 =	vld [tilespmem:s17+$0xFFFFFEC0];
	v4 =	vadd.f32 v36, v4  }
0x93: {  	v7 =	vadd.f32 v26, v7;
	v6 =	vadd.f32 v27, v6;
	v33 =	vld [tilespmem:s17+$0xFFFFFED0]  }
0x94: {  	v5 =	vadd.f32 v28, v5;
	v26 =	vld [tilespmem:s17+$0xFFFFFE40];
	v4 =	vadd.f32 v29, v4  }
0x95: {  	v7 =	vadd.f32 v22, v7;
	v6 =	vadd.f32 v23, v6;
	v27 =	vld [tilespmem:s17+$0xFFFFFE50]  }
0x96: {  	v5 =	vadd.f32 v24, v5;
	v22 =	vld [tilespmem:s17+$0xFFFFFE60];
	v4 =	vadd.f32 v25, v4  }
0x97: {  	s16 =	sadd.s32 $0x8, s16;
	v7 =	vadd.f32 v18, v7;
	v6 =	vadd.f32 v19, v6;
	v23 =	vld [tilespmem:s17+$0xFFFFFE70]  }
0x98: {  	p0 =	slt.u32 s16, $0x78;
	v5 =	vadd.f32 v20, v5;
	v18 =	vld [tilespmem:s17+$0xFFFFFEE0];
	v4 =	vadd.f32 v21, v4  }
0x99: {  	v7 =	vadd.f32 v10, v7;
	v6 =	vadd.f32 v11, v6;
	v19 =	vld [tilespmem:s17+$0xFFFFFEF0]  }
0x9a: {  	v5 =	vadd.f32 v12, v5;
	v10 =	vld [tilespmem:s17+$0xFFFFFF60];
	v4 =	vadd.f32 v17, v4  }
0x9b: {  	v11 =	vadd.f32 v26, v13;
	v12 =	vadd.f32 v27, v14;
	v13 =	vld [tilespmem:s17+$0xFFFFFF70]  }
0x9c: {  	v14 =	vadd.f32 v22, v15;
	v15 =	vadd.f32 v23, v16;
	v16 =	vld [tilespmem:s17+$0xFFFFFFE0]  }
0x9d: {  	v11 =	vadd.f32 v32, v11;
	v12 =	vadd.f32 v33, v12;
	v17 =	vld [tilespmem:s17+$0xFFFFFFF0]  }
0x9e: {  	v14 =	vadd.f32 v18, v14;
	v15 =	vadd.f32 v19, v15;
	v18 =	vld [tilespmem:s17+$0x60]  }
0x9f: {  	v19 =	vadd.f32 v35, v11;
	v12 =	vadd.f32 v38, v12;
	v20 =	vld [tilespmem:s17+$0x70]  }
0xa0: {  	v10 =	vadd.f32 v10, v14;
	v13 =	vadd.f32 v13, v15;
	v11 =	vld [tilespmem:s17+$0xE0]  }
.Ltmp0:
0xa1: {  	v14 =	vadd.f32 v37, v19;
	v15 =	vadd.f32 v34, v12;
	v12 =	vld [tilespmem:s17+$0xF0];
	(pc) =	sbr.rel @p0 .LBB2_3-.Ltmp0, $4  }
0xa2: {  	v10 =	vadd.f32 v16, v10;
	v17 =	vadd.f32 v17, v13;
	v13 =	vld [tilespmem:s17+$0x160]  }
0xa3: {  	v19 =	vadd.f32 v30, v14;
	v21 =	vadd.f32 v31, v15;
	v14 =	vld [tilespmem:s17+$0x170]  }
0xa4: {  	v16 =	vadd.f32 v18, v10;
	v17 =	vadd.f32 v20, v17;
	v15 =	vld [tilespmem:s17+$0x1E0]  }
0xa5: {  	v18 =	vadd.f32 v8, v19;
	v9 =	vadd.f32 v9, v21;
	v8 =	vld [tilespmem:s17+$0x1F0];
	s17 =	sadd.s32 $0x400, s17  }
0xa6: {  	s15 =	sadd.s32 $0x1, s15  }
0xa7: {  	p0 =	sne.s32 s15, $0x31  }
.Ltmp1:
0xa8: {  	v10 =	vadd.f32 v11, v16;
	v11 =	vadd.f32 v12, v17;
	(pc) =	sbr.rel @p0 .LBB2_2-.Ltmp1, $4  }
0xa9: {  	v2 =	vadd.f32 v2, v18;
	v3 =	vadd.f32 v3, v9  }
0xaa: {  	v9 =	vadd.f32 v13, v10;
	v12 =	vadd.f32 v14, v11  }
0xab: {  	v11 =	vadd.f32 v0, v2;
	v10 =	vadd.f32 v1, v3  }
0xac: {  	v9 =	vadd.f32 v15, v9;
	v8 =	vadd.f32 v8, v12  }
0xad: {  	[tilespmem:$0x4080] =	vst v7  }
0xae: {  	[tilespmem:$0x4090] =	vst v6  }
0xaf: {  	[tilespmem:$0x40A0] =	vst v5  }
0xb0: {  	[tilespmem:$0x40B0] =	vst v4  }
0xb1: {  	[tilespmem:$0x40C0] =	vst v11  }
0xb2: {  	[tilespmem:$0x40D0] =	vst v10;
	s14 =	sadd.s32 $0x1, s14  }
0xb3: {  	[tilespmem:$0x40E0] =	vst v9;
	p0 =	sne.s32 s14, s9  }
.Ltmp2:
0xb4: {  	[tilespmem:$0x40F0] =	vst v8;
	(pc) =	sbr.rel @p0 .LBB2_1-.Ltmp2, $4  }
0xb5: {  	[hbm4b:s8+s4] =	stream.linear.scatter [tilespmem:s13], [sflag:$0x2], $0x80, $0x38;
	[tilespmem:$0x4100] =	vst v63  }
0xb6: {  	_ =	swait.ge [sflag:s10], $0x80  }
0xb7: {  	[sflag:s10] =	ssyncset.done $0x0  }
0xb8: {  	[sflag:s10] =	ssyncadd.s32 $0xFFFFFF80  }
0xb9: {  	_ =	sfence.sel $0x180000  }
0xba: {  	[bflag:$0x0] =	sbarrier.arrive $0xFFFF  }
0xbb: {  	p0 =	sne.s32 s3, $0x0;
	_ =	strace $0x90000047  }
0xbc: {  	s0 =	sadd.s32 @!p0 $0x100000, s0;
	[bflag:$0x2] =	sbarrier.arrive $0xFFFF  }
0xbd: {  	[sflag:s0] =	ssyncadd.tile.s32 @!p0 $0x1;
	_ =	shalt  }
.Lfunc_end2:
_tile_overlayer_lowered:
.L_overlay_start_2:
0xbe: {  	(tag) =	ssettag $0x2  }
0xbf: {  	s0 =	rddreg [dreg:$0x0];
	s2 =	stileid.u32  }
0xc0: {  	s1 =	rddreg [dreg:$0x1];
	p0 =	sne.s32 s2, $0x0  }
0xc1: {  	s3 =	rddreg [dreg:$0x2];
	[bflag:$0x3] =	sbarrier.arrive $0xFFFF;
	s2 =	simm.s32 @!p0 $0x1C02  }
0xc2: {  	[timem:s3], [sflag:s2] =	dma.local @!p0 [hbm:s0], s1  }
0xc3: {  	s0 =	simm.s32 @!p0 $0x2  }
0xc4: {  	_ =	swait.ge @!p0 [sflag:s0], s1  }
0xc5: {  	s1 =	ssub.s32 @!p0 $0x0, s1;
	[sflag:s0] =	ssyncset.done @!p0 $0x0  }
0xc6: {  	[sflag:s0] =	ssyncadd.s32 @!p0 s1  }
0xc7: {  	[bflag:$0x3] =	sbarrier.arrive $0xFFFF  }
0xc8: {  	_ =	shalt  }

</sc_bundles>
